<compile_context>
chip_gen: v7x
topology: tpu7x:2x2x1
jax: 0.10.2.dev20260603
libtpu: 0.0.44.dev20260713+nightly
codegen_flags: <defaults>
</compile_context>

<pallas_src>
import functools

import jax
import jax.numpy as jnp
from jax import lax
from jax.experimental import pallas as pl
from jax.experimental.pallas import tpu as pltpu
from jax.experimental.pallas import tpu_sc as plsc

N_NODES = 10000
IN_FEAT = 128
OUT_FEAT = 128
NUM_RELS = 16
NUM_BASES = 64
SUBMAT = 2

CHUNK = 128
N_PIECES = 4
H_ROWS = 10240
MM_ROWS = 400
CB_ROWS = 1000


def _transform_body(x_ref, w_ref, y_ref):
    y_ref[...] = jnp.dot(x_ref[...], w_ref[...], preferred_element_type=jnp.float32)


def _combine_body(a_ref, b_ref, bias_ref, o_ref):
    o_ref[...] = a_ref[0] + b_ref[0] + bias_ref[...]


def kernel(x, edge_index, etypes, weight, h_bias):
    n_nodes, in_feat = x.shape
    src = edge_index[0].astype(jnp.int32)
    dst = edge_index[1].astype(jnp.int32)
    et = etypes.astype(jnp.int32)
    n_edges = src.shape[0]

    blocks = weight.reshape(NUM_RELS, NUM_BASES, SUBMAT, SUBMAT)
    eye = jnp.eye(NUM_BASES, dtype=weight.dtype)
    wd = jnp.einsum("rbuv,bc->rbucv", blocks, eye)
    w2 = wd.reshape(NUM_RELS, IN_FEAT, OUT_FEAT).transpose(1, 0, 2).reshape(
        IN_FEAT, NUM_RELS * OUT_FEAT)

    y2 = pl.pallas_call(
        _transform_body,
        grid=(n_nodes // MM_ROWS,),
        in_specs=[
            pl.BlockSpec((MM_ROWS, IN_FEAT), lambda i: (i, 0)),
            pl.BlockSpec((IN_FEAT, NUM_RELS * OUT_FEAT), lambda i: (0, 0)),
        ],
        out_specs=pl.BlockSpec((MM_ROWS, NUM_RELS * OUT_FEAT), lambda i: (i, 0)),
        out_shape=jax.ShapeDtypeStruct((n_nodes, NUM_RELS * OUT_FEAT), jnp.float32),
    )(x, w2)
    y_rows = y2.reshape(n_nodes * NUM_RELS, OUT_FEAT)

    e_pad = ((n_edges + 32 * CHUNK - 1) // (32 * CHUNK)) * (32 * CHUNK)
    pad = e_pad - n_edges
    src_p = jnp.concatenate([src, jnp.zeros((pad,), jnp.int32)])
    et_p = jnp.concatenate([et, jnp.zeros((pad,), jnp.int32)])
    dst_p = jnp.concatenate([dst, jnp.full((pad,), n_nodes, jnp.int32)])

    mesh = plsc.VectorSubcoreMesh(core_axis_name="c", subcore_axis_name="s")
    n_chunks = e_pad // (32 * CHUNK)
    per_w = n_chunks * CHUNK
    rows_per_tile = H_ROWS // 16

    src3 = src_p.reshape(32, per_w)
    et3 = et_p.reshape(32, per_w)
    dst3 = dst_p.reshape(32, n_chunks, CHUNK)

    def sc_body(y_hbm, src_hbm, et_hbm, dst_hbm, out_hbm,
                src_v, et_v, key_v, dst_v, rows0_v, rows1_v, zrow_v, h_sh,
                sem0, sem1):
        cid = lax.axis_index("c")
        sid = lax.axis_index("s")
        wid = sid * 2 + cid

        for i in range(16):
            for j in range(OUT_FEAT // 16):
                zrow_v[i, pl.ds(j * 16, 16)] = jnp.zeros((16,), jnp.float32)

        def zero_body(k, _):
            pltpu.sync_copy(zrow_v, h_sh.at[pl.ds(sid * rows_per_tile + k * 16, 16)])
            return _
        lax.fori_loop(0, rows_per_tile // 16, zero_body, None)

        pltpu.sync_copy(dst_hbm.at[wid], dst_v)
        piece = per_w // N_PIECES

        def piece_body(p, _):
            pltpu.sync_copy(src_hbm.at[wid, pl.ds(p * piece, piece)], src_v)
            pltpu.sync_copy(et_hbm.at[wid, pl.ds(p * piece, piece)], et_v)

            def key_body(i, _):
                sl = pl.ds(i * 16, 16)
                key_v[pl.ds(p * piece + i * 16, 16)] = (
                    src_v[sl] * NUM_RELS + et_v[sl])
                return _
            lax.fori_loop(0, piece // 16, key_body, None)
            return _
        lax.fori_loop(0, N_PIECES, piece_body, None)
        plsc.subcore_barrier()

        bufs = (rows0_v, rows1_v)
        sems = (sem0, sem1)

        def start_gather(t, b):
            pltpu.async_copy(y_hbm.at[key_v.at[pl.ds(t * CHUNK, CHUNK)]],
                             bufs[b], sems[b])

        def wait_gather(b):
            pltpu.make_async_copy(y_hbm.at[key_v.at[pl.ds(0, CHUNK)]],
                                  bufs[b], sems[b]).wait()

        start_gather(0, 0)

        def pair_body(i, _):
            t0 = i * 2
            @pl.when(t0 + 1 < n_chunks)
            def _():
                start_gather(t0 + 1, 1)
            wait_gather(0)
            pltpu.sync_copy(bufs[0], h_sh.at[dst_v.at[t0]], add=True)

            @pl.when(t0 + 2 < n_chunks)
            def _():
                start_gather(t0 + 2, 0)
            @pl.when(t0 + 1 < n_chunks)
            def _():
                wait_gather(1)
                pltpu.sync_copy(bufs[1], h_sh.at[dst_v.at[t0 + 1]], add=True)
            return _
        lax.fori_loop(0, (n_chunks + 1) // 2, pair_body, None)
        plsc.subcore_barrier()

        pltpu.sync_copy(h_sh.at[pl.ds(sid * rows_per_tile, rows_per_tile)],
                        out_hbm.at[cid, pl.ds(sid * rows_per_tile, rows_per_tile)])

    partials = pl.kernel(
        sc_body,
        out_type=jax.ShapeDtypeStruct((2, H_ROWS, OUT_FEAT), jnp.float32),
        mesh=mesh,
        scratch_types=[
            pltpu.VMEM((per_w // N_PIECES,), jnp.int32),
            pltpu.VMEM((per_w // N_PIECES,), jnp.int32),
            pltpu.VMEM((per_w,), jnp.int32),
            pltpu.VMEM((n_chunks, CHUNK), jnp.int32),
            pltpu.VMEM((CHUNK, OUT_FEAT), jnp.float32),
            pltpu.VMEM((CHUNK, OUT_FEAT), jnp.float32),
            pltpu.VMEM((16, OUT_FEAT), jnp.float32),
            pltpu.VMEM_SHARED((H_ROWS, OUT_FEAT), jnp.float32),
            pltpu.SemaphoreType.DMA,
            pltpu.SemaphoreType.DMA,
        ],
    )(y_rows, src3, et3, dst3)

    bias2 = h_bias.reshape(1, OUT_FEAT)
    out = pl.pallas_call(
        _combine_body,
        grid=(n_nodes // CB_ROWS,),
        in_specs=[
            pl.BlockSpec((1, CB_ROWS, OUT_FEAT), lambda i: (0, i, 0)),
            pl.BlockSpec((1, CB_ROWS, OUT_FEAT), lambda i: (1, i, 0)),
            pl.BlockSpec((1, OUT_FEAT), lambda i: (0, 0)),
        ],
        out_specs=pl.BlockSpec((CB_ROWS, OUT_FEAT), lambda i: (i, 0)),
        out_shape=jax.ShapeDtypeStruct((n_nodes, OUT_FEAT), jnp.float32),
    )(partials, partials, bias2)
    return out

# --- scband reference (transcript-rebuilt; emitter-appended) ---
"""Pipeline reference for scband-rel-graph-conv-74302934221533 (READ-ONLY COPY).

The authoritative reference and input builder live on the scoring server;
editing this copy changes nothing except your own understanding.
"""

import jax, jax.numpy as jnp
import numpy as np

N_NODES = 10000
N_EDGES = 160000
IN_FEAT = 128
OUT_FEAT = 128
NUM_RELS = 16
NUM_BASES = 64
SUBMAT_IN = IN_FEAT // NUM_BASES   # 2
SUBMAT_OUT = OUT_FEAT // NUM_BASES  # 2


def setup_inputs(seed: int = 0) -> dict:
    key = jax.random.key(seed)
    k_x, k_ei, k_et, k_w = jax.random.split(key, 4)
    x = jax.random.normal(k_x, (N_NODES, IN_FEAT), dtype=jnp.float32)
    edge_index = jax.random.randint(k_ei, (2, N_EDGES), 0, N_NODES, dtype=jnp.int64)
    etypes = jax.random.randint(k_et, (N_EDGES,), 0, NUM_RELS, dtype=jnp.int64)
    # bdd weight: [num_rels, num_bases * submat_in * submat_out], xavier_uniform w/ relu gain
    fan_in = NUM_RELS
    fan_out = NUM_BASES * SUBMAT_IN * SUBMAT_OUT
    gain = float(np.sqrt(2.0))
    bound = gain * np.sqrt(6.0 / (fan_in + fan_out))
    weight = jax.random.uniform(k_w, (NUM_RELS, NUM_BASES * SUBMAT_IN * SUBMAT_OUT),
                                minval=-bound, maxval=bound, dtype=jnp.float32)
    h_bias = jnp.zeros((OUT_FEAT,), dtype=jnp.float32)
    return {"x": x, "edge_index": edge_index, "etypes": etypes,
            "weight": weight, "h_bias": h_bias}


def reference(x, edge_index, etypes, weight, h_bias):
    # RelGraphConv forward with regularizer='bdd', bias=True, self_loop=False,
    # activation=None, dropout=0.0, norm=None.
    src = edge_index[0]
    dst = edge_index[1]
    num_nodes = x.shape[0]
    # bdd_message_func: gather per-edge block-diagonal weights and apply per block
    w = jnp.take(weight, etypes, axis=0)                       # [E, NB*si*so]
    w = w.reshape(-1, SUBMAT_IN, SUBMAT_OUT)                   # [E*NB, si, so]
    node = jnp.take(x, src, axis=0)                            # [E, in_feat]
    node = node.reshape(-1, 1, SUBMAT_IN)                      # [E*NB, 1, si]
    msg = jnp.matmul(node, w).reshape(-1, OUT_FEAT)            # [E, out_feat]
    # fn.sum(msg -> h): scatter-add messages onto destination nodes
    h = jax.ops.segment_sum(msg, dst, num_segments=num_nodes)  # [N, out_feat]
    # bias
    node_repr = h + h_bias
    return node_repr

if __name__ == "__main__":
    import jax
    _d = setup_inputs()
    print(jax.jit(kernel)(*tuple(_d.values())))

</pallas_src>

<mosaic_0001>
#map = affine_map<(d0, d1) -> (0, 0)>
#map1 = affine_map<(d0, d1) -> (0, 0, 0)>
module attributes {stable_mosaic.version = 14 : i64} {
  func.func @sc_body(%arg0: i32, %arg1: i32, %arg2: memref<160000x128xf32, #tpu.memory_space<hbm>>, %arg3: memref<32x5120xi32, #tpu.memory_space<hbm>>, %arg4: memref<32x5120xi32, #tpu.memory_space<hbm>>, %arg5: memref<32x40x128xi32, #tpu.memory_space<hbm>>, %arg6: memref<2x10240x128xf32, #tpu.memory_space<hbm>>, %arg7: memref<1280xi32, #tpu.memory_space<vmem>>, %arg8: memref<1280xi32, #tpu.memory_space<vmem>>, %arg9: memref<5120xi32, #tpu.memory_space<vmem>>, %arg10: memref<40x128xi32, #tpu.memory_space<vmem>>, %arg11: memref<128x128xf32, #tpu.memory_space<vmem>>, %arg12: memref<128x128xf32, #tpu.memory_space<vmem>>, %arg13: memref<16x128xf32, #tpu.memory_space<vmem>>, %arg14: memref<10240x128xf32, #tpu.memory_space<vmem_shared>>, %arg15: memref<!tpu.dma_semaphore, #tpu.memory_space<semaphore_mem>>, %arg16: memref<!tpu.dma_semaphore, #tpu.memory_space<semaphore_mem>>) attributes {dimension_semantics = [#tpu.dimension_semantics<core_parallel>, #tpu.dimension_semantics<subcore_parallel>], iteration_bounds = array<i64: 2, 16>, scalar_prefetch = 0 : i64, scratch_operands = 10 : i64, tpu.core_type = #tpu.core_type<sc_vector_subcore>, window_params = [{transform_indices = #map}, {transform_indices = #map}, {transform_indices = #map}, {transform_indices = #map1}, {transform_indices = #map1}]} {
    %mul3A = arith.constant 2 : i32
    %mul3A_0 = arith.muli %arg1, %mul3A : i32
    %add3A = arith.addi %mul3A_0, %arg0 : i32
    %broadcast_in_dim3A = arith.constant 0.000000e+00 : f32
    %broadcast_in_dim3A_1 = vector.broadcast %broadcast_in_dim3A : f32 to vector<16xf32>
    %swap3A = arith.constant 0 : i32
    %swap3A_2 = arith.index_cast %swap3A : i32 to index
    %swap3A_3 = arith.constant 0 : index
    %swap3A_4 = tpu.vector_load %arg13[%swap3A_2, %swap3A_3] {strides = array<i32>} : memref<16x128xf32, #tpu.memory_space<vmem>>, vector<1x16xf32>,
    %swap3A_5 = vector.shape_cast %swap3A_4 : vector<1x16xf32> to vector<16xf32>
    %swap3A_6 = vector.shape_cast %broadcast_in_dim3A_1 : vector<16xf32> to vector<1x16xf32>
    tpu.vector_store %arg13[%swap3A_2, %swap3A_3], %swap3A_6 {strides = array<i32>} : memref<16x128xf32, #tpu.memory_space<vmem>>, vector<1x16xf32>,
    %broadcast_in_dim3A_7 = arith.constant 0.000000e+00 : f32
    %broadcast_in_dim3A_8 = vector.broadcast %broadcast_in_dim3A_7 : f32 to vector<16xf32>
    %swap3A_9 = arith.constant 0 : i32
    %swap3A_10 = arith.index_cast %swap3A_9 : i32 to index
    %swap3A_11 = arith.constant 16 : index
    %swap3A_12 = tpu.vector_load %arg13[%swap3A_10, %swap3A_11] {strides = array<i32>} : memref<16x128xf32, #tpu.memory_space<vmem>>, vector<1x16xf32>,
    %swap3A_13 = vector.shape_cast %swap3A_12 : vector<1x16xf32> to vector<16xf32>
    %swap3A_14 = vector.shape_cast %broadcast_in_dim3A_8 : vector<16xf32> to vector<1x16xf32>
    tpu.vector_store %arg13[%swap3A_10, %swap3A_11], %swap3A_14 {strides = array<i32>} : memref<16x128xf32, #tpu.memory_space<vmem>>, vector<1x16xf32>,
    %broadcast_in_dim3A_15 = arith.constant 0.000000e+00 : f32
    %broadcast_in_dim3A_16 = vector.broadcast %broadcast_in_dim3A_15 : f32 to vector<16xf32>
    %swap3A_17 = arith.constant 0 : i32
    %swap3A_18 = arith.index_cast %swap3A_17 : i32 to index
    %swap3A_19 = arith.constant 32 : index
    %swap3A_20 = tpu.vector_load %arg13[%swap3A_18, %swap3A_19] {strides = array<i32>} : memref<16x128xf32, #tpu.memory_space<vmem>>, vector<1x16xf32>,
    %swap3A_21 = vector.shape_cast %swap3A_20 : vector<1x16xf32> to vector<16xf32>
    %swap3A_22 = vector.shape_cast %broadcast_in_dim3A_16 : vector<16xf32> to vector<1x16xf32>
    tpu.vector_store %arg13[%swap3A_18, %swap3A_19], %swap3A_22 {strides = array<i32>} : memref<16x128xf32, #tpu.memory_space<vmem>>, vector<1x16xf32>,
    %broadcast_in_dim3A_23 = arith.constant 0.000000e+00 : f32
    %broadcast_in_dim3A_24 = vector.broadcast %broadcast_in_dim3A_23 : f32 to vector<16xf32>
    %swap3A_25 = arith.constant 0 : i32
    %swap3A_26 = arith.index_cast %swap3A_25 : i32 to index
    %swap3A_27 = arith.constant 48 : index
    %swap3A_28 = tpu.vector_load %arg13[%swap3A_26, %swap3A_27] {strides = array<i32>} : memref<16x128xf32, #tpu.memory_space<vmem>>, vector<1x16xf32>,
    %swap3A_29 = vector.shape_cast %swap3A_28 : vector<1x16xf32> to vector<16xf32>
    %swap3A_30 = vector.shape_cast %broadcast_in_dim3A_24 : vector<16xf32> to vector<1x16xf32>
    tpu.vector_store %arg13[%swap3A_26, %swap3A_27], %swap3A_30 {strides = array<i32>} : memref<16x128xf32, #tpu.memory_space<vmem>>, vector<1x16xf32>,
    %broadcast_in_dim3A_31 = arith.constant 0.000000e+00 : f32
    %broadcast_in_dim3A_32 = vector.broadcast %broadcast_in_dim3A_31 : f32 to vector<16xf32>
    %swap3A_33 = arith.constant 0 : i32
    %swap3A_34 = arith.index_cast %swap3A_33 : i32 to index
    %swap3A_35 = arith.constant 64 : index
    %swap3A_36 = tpu.vector_load %arg13[%swap3A_34, %swap3A_35] {strides = array<i32>} : memref<16x128xf32, #tpu.memory_space<vmem>>, vector<1x16xf32>,
    %swap3A_37 = vector.shape_cast %swap3A_36 : vector<1x16xf32> to vector<16xf32>
    %swap3A_38 = vector.shape_cast %broadcast_in_dim3A_32 : vector<16xf32> to vector<1x16xf32>
    tpu.vector_store %arg13[%swap3A_34, %swap3A_35], %swap3A_38 {strides = array<i32>} : memref<16x128xf32, #tpu.memory_space<vmem>>, vector<1x16xf32>,
    %broadcast_in_dim3A_39 = arith.constant 0.000000e+00 : f32
    %broadcast_in_dim3A_40 = vector.broadcast %broadcast_in_dim3A_39 : f32 to vector<16xf32>
    %swap3A_41 = arith.constant 0 : i32
    %swap3A_42 = arith.index_cast %swap3A_41 : i32 to index
    %swap3A_43 = arith.constant 80 : index
    %swap3A_44 = tpu.vector_load %arg13[%swap3A_42, %swap3A_43] {strides = array<i32>} : memref<16x128xf32, #tpu.memory_space<vmem>>, vector<1x16xf32>,
    %swap3A_45 = vector.shape_cast %swap3A_44 : vector<1x16xf32> to vector<16xf32>
    %swap3A_46 = vector.shape_cast %broadcast_in_dim3A_40 : vector<16xf32> to vector<1x16xf32>
    tpu.vector_store %arg13[%swap3A_42, %swap3A_43], %swap3A_46 {strides = array<i32>} : memref<16x128xf32, #tpu.memory_space<vmem>>, vector<1x16xf32>,
    %broadcast_in_dim3A_47 = arith.constant 0.000000e+00 : f32
    %broadcast_in_dim3A_48 = vector.broadcast %broadcast_in_dim3A_47 : f32 to vector<16xf32>
    %swap3A_49 = arith.constant 0 : i32
    %swap3A_50 = arith.index_cast %swap3A_49 : i32 to index
    %swap3A_51 = arith.constant 96 : index
    %swap3A_52 = tpu.vector_load %arg13[%swap3A_50, %swap3A_51] {strides = array<i32>} : memref<16x128xf32, #tpu.memory_space<vmem>>, vector<1x16xf32>,
    %swap3A_53 = vector.shape_cast %swap3A_52 : vector<1x16xf32> to vector<16xf32>
    %swap3A_54 = vector.shape_cast %broadcast_in_dim3A_48 : vector<16xf32> to vector<1x16xf32>
    tpu.vector_store %arg13[%swap3A_50, %swap3A_51], %swap3A_54 {strides = array<i32>} : memref<16x128xf32, #tpu.memory_space<vmem>>, vector<1x16xf32>,
    %broadcast_in_dim3A_55 = arith.constant 0.000000e+00 : f32
    %broadcast_in_dim3A_56 = vector.broadcast %broadcast_in_dim3A_55 : f32 to vector<16xf32>
    %swap3A_57 = arith.constant 0 : i32
    %swap3A_58 = arith.index_cast %swap3A_57 : i32 to index
    %swap3A_59 = arith.constant 112 : index
    %swap3A_60 = tpu.vector_load %arg13[%swap3A_58, %swap3A_59] {strides = array<i32>} : memref<16x128xf32, #tpu.memory_space<vmem>>, vector<1x16xf32>,
    %swap3A_61 = vector.shape_cast %swap3A_60 : vector<1x16xf32> to vector<16xf32>
    %swap3A_62 = vector.shape_cast %broadcast_in_dim3A_56 : vector<16xf32> to vector<1x16xf32>
    tpu.vector_store %arg13[%swap3A_58, %swap3A_59], %swap3A_62 {strides = array<i32>} : memref<16x128xf32, #tpu.memory_space<vmem>>, vector<1x16xf32>,
    %broadcast_in_dim3A_63 = arith.constant 0.000000e+00 : f32
    %broadcast_in_dim3A_64 = vector.broadcast %broadcast_in_dim3A_63 : f32 to vector<16xf32>
    %swap3A_65 = arith.constant 1 : i32
    %swap3A_66 = arith.index_cast %swap3A_65 : i32 to index
    %swap3A_67 = arith.constant 0 : index
    %swap3A_68 = tpu.vector_load %arg13[%swap3A_66, %swap3A_67] {strides = array<i32>} : memref<16x128xf32, #tpu.memory_space<vmem>>, vector<1x16xf32>,
    %swap3A_69 = vector.shape_cast %swap3A_68 : vector<1x16xf32> to vector<16xf32>
    %swap3A_70 = vector.shape_cast %broadcast_in_dim3A_64 : vector<16xf32> to vector<1x16xf32>
    tpu.vector_store %arg13[%swap3A_66, %swap3A_67], %swap3A_70 {strides = array<i32>} : memref<16x128xf32, #tpu.memory_space<vmem>>, vector<1x16xf32>,
    %broadcast_in_dim3A_71 = arith.constant 0.000000e+00 : f32
    %broadcast_in_dim3A_72 = vector.broadcast %broadcast_in_dim3A_71 : f32 to vector<16xf32>
    %swap3A_73 = arith.constant 1 : i32
    %swap3A_74 = arith.index_cast %swap3A_73 : i32 to index
    %swap3A_75 = arith.constant 16 : index
    %swap3A_76 = tpu.vector_load %arg13[%swap3A_74, %swap3A_75] {strides = array<i32>} : memref<16x128xf32, #tpu.memory_space<vmem>>, vector<1x16xf32>,
    %swap3A_77 = vector.shape_cast %swap3A_76 : vector<1x16xf32> to vector<16xf32>
    %swap3A_78 = vector.shape_cast %broadcast_in_dim3A_72 : vector<16xf32> to vector<1x16xf32>
    tpu.vector_store %arg13[%swap3A_74, %swap3A_75], %swap3A_78 {strides = array<i32>} : memref<16x128xf32, #tpu.memory_space<vmem>>, vector<1x16xf32>,
    %broadcast_in_dim3A_79 = arith.constant 0.000000e+00 : f32
    %broadcast_in_dim3A_80 = vector.broadcast %broadcast_in_dim3A_79 : f32 to vector<16xf32>
    %swap3A_81 = arith.constant 1 : i32
    %swap3A_82 = arith.index_cast %swap3A_81 : i32 to index
    %swap3A_83 = arith.constant 32 : index
    %swap3A_84 = tpu.vector_load %arg13[%swap3A_82, %swap3A_83] {strides = array<i32>} : memref<16x128xf32, #tpu.memory_space<vmem>>, vector<1x16xf32>,
    %swap3A_85 = vector.shape_cast %swap3A_84 : vector<1x16xf32> to vector<16xf32>
    %swap3A_86 = vector.shape_cast %broadcast_in_dim3A_80 : vector<16xf32> to vector<1x16xf32>
    tpu.vector_store %arg13[%swap3A_82, %swap3A_83], %swap3A_86 {strides = array<i32>} : memref<16x128xf32, #tpu.memory_space<vmem>>, vector<1x16xf32>,
    %broadcast_in_dim3A_87 = arith.constant 0.000000e+00 : f32
    %broadcast_in_dim3A_88 = vector.broadcast %broadcast_in_dim3A_87 : f32 to vector<16xf32>
    %swap3A_89 = arith.constant 1 : i32
    %swap3A_90 = arith.index_cast %swap3A_89 : i32 to index
    %swap3A_91 = arith.constant 48 : index
    %swap3A_92 = tpu.vector_load %arg13[%swap3A_90, %swap3A_91] {strides = array<i32>} : memref<16x128xf32, #tpu.memory_space<vmem>>, vector<1x16xf32>,
    %swap3A_93 = vector.shape_cast %swap3A_92 : vector<1x16xf32> to vector<16xf32>
    %swap3A_94 = vector.shape_cast %broadcast_in_dim3A_88 : vector<16xf32> to vector<1x16xf32>
    tpu.vector_store %arg13[%swap3A_90, %swap3A_91], %swap3A_94 {strides = array<i32>} : memref<16x128xf32, #tpu.memory_space<vmem>>, vector<1x16xf32>,
    %broadcast_in_dim3A_95 = arith.constant 0.000000e+00 : f32
    %broadcast_in_dim3A_96 = vector.broadcast %broadcast_in_dim3A_95 : f32 to vector<16xf32>
    %swap3A_97 = arith.constant 1 : i32
    %swap3A_98 = arith.index_cast %swap3A_97 : i32 to index
    %swap3A_99 = arith.constant 64 : index
    %swap3A_100 = tpu.vector_load %arg13[%swap3A_98, %swap3A_99] {strides = array<i32>} : memref<16x128xf32, #tpu.memory_space<vmem>>, vector<1x16xf32>,
    %swap3A_101 = vector.shape_cast %swap3A_100 : vector<1x16xf32> to vector<16xf32>
    %swap3A_102 = vector.shape_cast %broadcast_in_dim3A_96 : vector<16xf32> to vector<1x16xf32>
    tpu.vector_store %arg13[%swap3A_98, %swap3A_99], %swap3A_102 {strides = array<i32>} : memref<16x128xf32, #tpu.memory_space<vmem>>, vector<1x16xf32>,
    %broadcast_in_dim3A_103 = arith.constant 0.000000e+00 : f32
    %broadcast_in_dim3A_104 = vector.broadcast %broadcast_in_dim3A_103 : f32 to vector<16xf32>
    %swap3A_105 = arith.constant 1 : i32
    %swap3A_106 = arith.index_cast %swap3A_105 : i32 to index
    %swap3A_107 = arith.constant 80 : index
    %swap3A_108 = tpu.vector_load %arg13[%swap3A_106, %swap3A_107] {strides = array<i32>} : memref<16x128xf32, #tpu.memory_space<vmem>>, vector<1x16xf32>,
    %swap3A_109 = vector.shape_cast %swap3A_108 : vector<1x16xf32> to vector<16xf32>
    %swap3A_110 = vector.shape_cast %broadcast_in_dim3A_104 : vector<16xf32> to vector<1x16xf32>
    tpu.vector_store %arg13[%swap3A_106, %swap3A_107], %swap3A_110 {strides = array<i32>} : memref<16x128xf32, #tpu.memory_space<vmem>>, vector<1x16xf32>,
    %broadcast_in_dim3A_111 = arith.constant 0.000000e+00 : f32
    %broadcast_in_dim3A_112 = vector.broadcast %broadcast_in_dim3A_111 : f32 to vector<16xf32>
    %swap3A_113 = arith.constant 1 : i32
    %swap3A_114 = arith.index_cast %swap3A_113 : i32 to index
    %swap3A_115 = arith.constant 96 : index
    %swap3A_116 = tpu.vector_load %arg13[%swap3A_114, %swap3A_115] {strides = array<i32>} : memref<16x128xf32, #tpu.memory_space<vmem>>, vector<1x16xf32>,
    %swap3A_117 = vector.shape_cast %swap3A_116 : vector<1x16xf32> to vector<16xf32>
    %swap3A_118 = vector.shape_cast %broadcast_in_dim3A_112 : vector<16xf32> to vector<1x16xf32>
    tpu.vector_store %arg13[%swap3A_114, %swap3A_115], %swap3A_118 {strides = array<i32>} : memref<16x128xf32, #tpu.memory_space<vmem>>, vector<1x16xf32>,
    %broadcast_in_dim3A_119 = arith.constant 0.000000e+00 : f32
    %broadcast_in_dim3A_120 = vector.broadcast %broadcast_in_dim3A_119 : f32 to vector<16xf32>
    %swap3A_121 = arith.constant 1 : i32
    %swap3A_122 = arith.index_cast %swap3A_121 : i32 to index
    %swap3A_123 = arith.constant 112 : index
    %swap3A_124 = tpu.vector_load %arg13[%swap3A_122, %swap3A_123] {strides = array<i32>} : memref<16x128xf32, #tpu.memory_space<vmem>>, vector<1x16xf32>,
    %swap3A_125 = vector.shape_cast %swap3A_124 : vector<1x16xf32> to vector<16xf32>
    %swap3A_126 = vector.shape_cast %broadcast_in_dim3A_120 : vector<16xf32> to vector<1x16xf32>
    tpu.vector_store %arg13[%swap3A_122, %swap3A_123], %swap3A_126 {strides = array<i32>} : memref<16x128xf32, #tpu.memory_space<vmem>>, vector<1x16xf32>,
    %broadcast_in_dim3A_127 = arith.constant 0.000000e+00 : f32
    %broadcast_in_dim3A_128 = vector.broadcast %broadcast_in_dim3A_127 : f32 to vector<16xf32>
    %swap3A_129 = arith.constant 2 : i32
    %swap3A_130 = arith.index_cast %swap3A_129 : i32 to index
    %swap3A_131 = arith.constant 0 : index
    %swap3A_132 = tpu.vector_load %arg13[%swap3A_130, %swap3A_131] {strides = array<i32>} : memref<16x128xf32, #tpu.memory_space<vmem>>, vector<1x16xf32>,
    %swap3A_133 = vector.shape_cast %swap3A_132 : vector<1x16xf32> to vector<16xf32>
    %swap3A_134 = vector.shape_cast %broadcast_in_dim3A_128 : vector<16xf32> to vector<1x16xf32>
    tpu.vector_store %arg13[%swap3A_130, %swap3A_131], %swap3A_134 {strides = array<i32>} : memref<16x128xf32, #tpu.memory_space<vmem>>, vector<1x16xf32>,
    %broadcast_in_dim3A_135 = arith.constant 0.000000e+00 : f32
    %broadcast_in_dim3A_136 = vector.broadcast %broadcast_in_dim3A_135 : f32 to vector<16xf32>
    %swap3A_137 = arith.constant 2 : i32
    %swap3A_138 = arith.index_cast %swap3A_137 : i32 to index
    %swap3A_139 = arith.constant 16 : index
    %swap3A_140 = tpu.vector_load %arg13[%swap3A_138, %swap3A_139] {strides = array<i32>} : memref<16x128xf32, #tpu.memory_space<vmem>>, vector<1x16xf32>,
    %swap3A_141 = vector.shape_cast %swap3A_140 : vector<1x16xf32> to vector<16xf32>
    %swap3A_142 = vector.shape_cast %broadcast_in_dim3A_136 : vector<16xf32> to vector<1x16xf32>
    tpu.vector_store %arg13[%swap3A_138, %swap3A_139], %swap3A_142 {strides = array<i32>} : memref<16x128xf32, #tpu.memory_space<vmem>>, vector<1x16xf32>,
    %broadcast_in_dim3A_143 = arith.constant 0.000000e+00 : f32
    %broadcast_in_dim3A_144 = vector.broadcast %broadcast_in_dim3A_143 : f32 to vector<16xf32>
    %swap3A_145 = arith.constant 2 : i32
    %swap3A_146 = arith.index_cast %swap3A_145 : i32 to index
    %swap3A_147 = arith.constant 32 : index
    %swap3A_148 = tpu.vector_load %arg13[%swap3A_146, %swap3A_147] {strides = array<i32>} : memref<16x128xf32, #tpu.memory_space<vmem>>, vector<1x16xf32>,
    %swap3A_149 = vector.shape_cast %swap3A_148 : vector<1x16xf32> to vector<16xf32>
    %swap3A_150 = vector.shape_cast %broadcast_in_dim3A_144 : vector<16xf32> to vector<1x16xf32>
    tpu.vector_store %arg13[%swap3A_146, %swap3A_147], %swap3A_150 {strides = array<i32>} : memref<16x128xf32, #tpu.memory_space<vmem>>, vector<1x16xf32>,
    %broadcast_in_dim3A_151 = arith.constant 0.000000e+00 : f32
    %broadcast_in_dim3A_152 = vector.broadcast %broadcast_in_dim3A_151 : f32 to vector<16xf32>
    %swap3A_153 = arith.constant 2 : i32
    %swap3A_154 = arith.index_cast %swap3A_153 : i32 to index
    %swap3A_155 = arith.constant 48 : index
    %swap3A_156 = tpu.vector_load %arg13[%swap3A_154, %swap3A_155] {strides = array<i32>} : memref<16x128xf32, #tpu.memory_space<vmem>>, vector<1x16xf32>,
    %swap3A_157 = vector.shape_cast %swap3A_156 : vector<1x16xf32> to vector<16xf32>
    %swap3A_158 = vector.shape_cast %broadcast_in_dim3A_152 : vector<16xf32> to vector<1x16xf32>
    tpu.vector_store %arg13[%swap3A_154, %swap3A_155], %swap3A_158 {strides = array<i32>} : memref<16x128xf32, #tpu.memory_space<vmem>>, vector<1x16xf32>,
    %broadcast_in_dim3A_159 = arith.constant 0.000000e+00 : f32
    %broadcast_in_dim3A_160 = vector.broadcast %broadcast_in_dim3A_159 : f32 to vector<16xf32>
    %swap3A_161 = arith.constant 2 : i32
    %swap3A_162 = arith.index_cast %swap3A_161 : i32 to index
    %swap3A_163 = arith.constant 64 : index
    %swap3A_164 = tpu.vector_load %arg13[%swap3A_162, %swap3A_163] {strides = array<i32>} : memref<16x128xf32, #tpu.memory_space<vmem>>, vector<1x16xf32>,
    %swap3A_165 = vector.shape_cast %swap3A_164 : vector<1x16xf32> to vector<16xf32>
    %swap3A_166 = vector.shape_cast %broadcast_in_dim3A_160 : vector<16xf32> to vector<1x16xf32>
    tpu.vector_store %arg13[%swap3A_162, %swap3A_163], %swap3A_166 {strides = array<i32>} : memref<16x128xf32, #tpu.memory_space<vmem>>, vector<1x16xf32>,
    %broadcast_in_dim3A_167 = arith.constant 0.000000e+00 : f32
    %broadcast_in_dim3A_168 = vector.broadcast %broadcast_in_dim3A_167 : f32 to vector<16xf32>
    %swap3A_169 = arith.constant 2 : i32
    %swap3A_170 = arith.index_cast %swap3A_169 : i32 to index
    %swap3A_171 = arith.constant 80 : index
    %swap3A_172 = tpu.vector_load %arg13[%swap3A_170, %swap3A_171] {strides = array<i32>} : memref<16x128xf32, #tpu.memory_space<vmem>>, vector<1x16xf32>,
    %swap3A_173 = vector.shape_cast %swap3A_172 : vector<1x16xf32> to vector<16xf32>
    %swap3A_174 = vector.shape_cast %broadcast_in_dim3A_168 : vector<16xf32> to vector<1x16xf32>
    tpu.vector_store %arg13[%swap3A_170, %swap3A_171], %swap3A_174 {strides = array<i32>} : memref<16x128xf32, #tpu.memory_space<vmem>>, vector<1x16xf32>,
    %broadcast_in_dim3A_175 = arith.constant 0.000000e+00 : f32
    %broadcast_in_dim3A_176 = vector.broadcast %broadcast_in_dim3A_175 : f32 to vector<16xf32>
    %swap3A_177 = arith.constant 2 : i32
    %swap3A_178 = arith.index_cast %swap3A_177 : i32 to index
    %swap3A_179 = arith.constant 96 : index
    %swap3A_180 = tpu.vector_load %arg13[%swap3A_178, %swap3A_179] {strides = array<i32>} : memref<16x128xf32, #tpu.memory_space<vmem>>, vector<1x16xf32>,
    %swap3A_181 = vector.shape_cast %swap3A_180 : vector<1x16xf32> to vector<16xf32>
    %swap3A_182 = vector.shape_cast %broadcast_in_dim3A_176 : vector<16xf32> to vector<1x16xf32>
    tpu.vector_store %arg13[%swap3A_178, %swap3A_179], %swap3A_182 {strides = array<i32>} : memref<16x128xf32, #tpu.memory_space<vmem>>, vector<1x16xf32>,
    %broadcast_in_dim3A_183 = arith.constant 0.000000e+00 : f32
    %broadcast_in_dim3A_184 = vector.broadcast %broadcast_in_dim3A_183 : f32 to vector<16xf32>
    %swap3A_185 = arith.constant 2 : i32
    %swap3A_186 = arith.index_cast %swap3A_185 : i32 to index
    %swap3A_187 = arith.constant 112 : index
    %swap3A_188 = tpu.vector_load %arg13[%swap3A_186, %swap3A_187] {strides = array<i32>} : memref<16x128xf32, #tpu.memory_space<vmem>>, vector<1x16xf32>,
    %swap3A_189 = vector.shape_cast %swap3A_188 : vector<1x16xf32> to vector<16xf32>
    %swap3A_190 = vector.shape_cast %broadcast_in_dim3A_184 : vector<16xf32> to vector<1x16xf32>
    tpu.vector_store %arg13[%swap3A_186, %swap3A_187], %swap3A_190 {strides = array<i32>} : memref<16x128xf32, #tpu.memory_space<vmem>>, vector<1x16xf32>,
    %broadcast_in_dim3A_191 = arith.constant 0.000000e+00 : f32
    %broadcast_in_dim3A_192 = vector.broadcast %broadcast_in_dim3A_191 : f32 to vector<16xf32>
    %swap3A_193 = arith.constant 3 : i32
    %swap3A_194 = arith.index_cast %swap3A_193 : i32 to index
    %swap3A_195 = arith.constant 0 : index
    %swap3A_196 = tpu.vector_load %arg13[%swap3A_194, %swap3A_195] {strides = array<i32>} : memref<16x128xf32, #tpu.memory_space<vmem>>, vector<1x16xf32>,
    %swap3A_197 = vector.shape_cast %swap3A_196 : vector<1x16xf32> to vector<16xf32>
    %swap3A_198 = vector.shape_cast %broadcast_in_dim3A_192 : vector<16xf32> to vector<1x16xf32>
    tpu.vector_store %arg13[%swap3A_194, %swap3A_195], %swap3A_198 {strides = array<i32>} : memref<16x128xf32, #tpu.memory_space<vmem>>, vector<1x16xf32>,
    %broadcast_in_dim3A_199 = arith.constant 0.000000e+00 : f32
    %broadcast_in_dim3A_200 = vector.broadcast %broadcast_in_dim3A_199 : f32 to vector<16xf32>
    %swap3A_201 = arith.constant 3 : i32
    %swap3A_202 = arith.index_cast %swap3A_201 : i32 to index
    %swap3A_203 = arith.constant 16 : index
    %swap3A_204 = tpu.vector_load %arg13[%swap3A_202, %swap3A_203] {strides = array<i32>} : memref<16x128xf32, #tpu.memory_space<vmem>>, vector<1x16xf32>,
    %swap3A_205 = vector.shape_cast %swap3A_204 : vector<1x16xf32> to vector<16xf32>
    %swap3A_206 = vector.shape_cast %broadcast_in_dim3A_200 : vector<16xf32> to vector<1x16xf32>
    tpu.vector_store %arg13[%swap3A_202, %swap3A_203], %swap3A_206 {strides = array<i32>} : memref<16x128xf32, #tpu.memory_space<vmem>>, vector<1x16xf32>,
    %broadcast_in_dim3A_207 = arith.constant 0.000000e+00 : f32
    %broadcast_in_dim3A_208 = vector.broadcast %broadcast_in_dim3A_207 : f32 to vector<16xf32>
    %swap3A_209 = arith.constant 3 : i32
    %swap3A_210 = arith.index_cast %swap3A_209 : i32 to index
    %swap3A_211 = arith.constant 32 : index
    %swap3A_212 = tpu.vector_load %arg13[%swap3A_210, %swap3A_211] {strides = array<i32>} : memref<16x128xf32, #tpu.memory_space<vmem>>, vector<1x16xf32>,
    %swap3A_213 = vector.shape_cast %swap3A_212 : vector<1x16xf32> to vector<16xf32>
    %swap3A_214 = vector.shape_cast %broadcast_in_dim3A_208 : vector<16xf32> to vector<1x16xf32>
    tpu.vector_store %arg13[%swap3A_210, %swap3A_211], %swap3A_214 {strides = array<i32>} : memref<16x128xf32, #tpu.memory_space<vmem>>, vector<1x16xf32>,
    %broadcast_in_dim3A_215 = arith.constant 0.000000e+00 : f32
    %broadcast_in_dim3A_216 = vector.broadcast %broadcast_in_dim3A_215 : f32 to vector<16xf32>
    %swap3A_217 = arith.constant 3 : i32
    %swap3A_218 = arith.index_cast %swap3A_217 : i32 to index
    %swap3A_219 = arith.constant 48 : index
    %swap3A_220 = tpu.vector_load %arg13[%swap3A_218, %swap3A_219] {strides = array<i32>} : memref<16x128xf32, #tpu.memory_space<vmem>>, vector<1x16xf32>,
    %swap3A_221 = vector.shape_cast %swap3A_220 : vector<1x16xf32> to vector<16xf32>
    %swap3A_222 = vector.shape_cast %broadcast_in_dim3A_216 : vector<16xf32> to vector<1x16xf32>
    tpu.vector_store %arg13[%swap3A_218, %swap3A_219], %swap3A_222 {strides = array<i32>} : memref<16x128xf32, #tpu.memory_space<vmem>>, vector<1x16xf32>,
    %broadcast_in_dim3A_223 = arith.constant 0.000000e+00 : f32
    %broadcast_in_dim3A_224 = vector.broadcast %broadcast_in_dim3A_223 : f32 to vector<16xf32>
    %swap3A_225 = arith.constant 3 : i32
    %swap3A_226 = arith.index_cast %swap3A_225 : i32 to index
    %swap3A_227 = arith.constant 64 : index
    %swap3A_228 = tpu.vector_load %arg13[%swap3A_226, %swap3A_227] {strides = array<i32>} : memref<16x128xf32, #tpu.memory_space<vmem>>, vector<1x16xf32>,
    %swap3A_229 = vector.shape_cast %swap3A_228 : vector<1x16xf32> to vector<16xf32>
    %swap3A_230 = vector.shape_cast %broadcast_in_dim3A_224 : vector<16xf32> to vector<1x16xf32>
    tpu.vector_store %arg13[%swap3A_226, %swap3A_227], %swap3A_230 {strides = array<i32>} : memref<16x128xf32, #tpu.memory_space<vmem>>, vector<1x16xf32>,
    %broadcast_in_dim3A_231 = arith.constant 0.000000e+00 : f32
    %broadcast_in_dim3A_232 = vector.broadcast %broadcast_in_dim3A_231 : f32 to vector<16xf32>
    %swap3A_233 = arith.constant 3 : i32
    %swap3A_234 = arith.index_cast %swap3A_233 : i32 to index
    %swap3A_235 = arith.constant 80 : index
    %swap3A_236 = tpu.vector_load %arg13[%swap3A_234, %swap3A_235] {strides = array<i32>} : memref<16x128xf32, #tpu.memory_space<vmem>>, vector<1x16xf32>,
    %swap3A_237 = vector.shape_cast %swap3A_236 : vector<1x16xf32> to vector<16xf32>
    %swap3A_238 = vector.shape_cast %broadcast_in_dim3A_232 : vector<16xf32> to vector<1x16xf32>
    tpu.vector_store %arg13[%swap3A_234, %swap3A_235], %swap3A_238 {strides = array<i32>} : memref<16x128xf32, #tpu.memory_space<vmem>>, vector<1x16xf32>,
    %broadcast_in_dim3A_239 = arith.constant 0.000000e+00 : f32
    %broadcast_in_dim3A_240 = vector.broadcast %broadcast_in_dim3A_239 : f32 to vector<16xf32>
    %swap3A_241 = arith.constant 3 : i32
    %swap3A_242 = arith.index_cast %swap3A_241 : i32 to index
    %swap3A_243 = arith.constant 96 : index
    %swap3A_244 = tpu.vector_load %arg13[%swap3A_242, %swap3A_243] {strides = array<i32>} : memref<16x128xf32, #tpu.memory_space<vmem>>, vector<1x16xf32>,
    %swap3A_245 = vector.shape_cast %swap3A_244 : vector<1x16xf32> to vector<16xf32>
    %swap3A_246 = vector.shape_cast %broadcast_in_dim3A_240 : vector<16xf32> to vector<1x16xf32>
    tpu.vector_store %arg13[%swap3A_242, %swap3A_243], %swap3A_246 {strides = array<i32>} : memref<16x128xf32, #tpu.memory_space<vmem>>, vector<1x16xf32>,
    %broadcast_in_dim3A_247 = arith.constant 0.000000e+00 : f32
    %broadcast_in_dim3A_248 = vector.broadcast %broadcast_in_dim3A_247 : f32 to vector<16xf32>
    %swap3A_249 = arith.constant 3 : i32
    %swap3A_250 = arith.index_cast %swap3A_249 : i32 to index
    %swap3A_251 = arith.constant 112 : index
    %swap3A_252 = tpu.vector_load %arg13[%swap3A_250, %swap3A_251] {strides = array<i32>} : memref<16x128xf32, #tpu.memory_space<vmem>>, vector<1x16xf32>,
    %swap3A_253 = vector.shape_cast %swap3A_252 : vector<1x16xf32> to vector<16xf32>
    %swap3A_254 = vector.shape_cast %broadcast_in_dim3A_248 : vector<16xf32> to vector<1x16xf32>
    tpu.vector_store %arg13[%swap3A_250, %swap3A_251], %swap3A_254 {strides = array<i32>} : memref<16x128xf32, #tpu.memory_space<vmem>>, vector<1x16xf32>,
    %broadcast_in_dim3A_255 = arith.constant 0.000000e+00 : f32
    %broadcast_in_dim3A_256 = vector.broadcast %broadcast_in_dim3A_255 : f32 to vector<16xf32>
    %swap3A_257 = arith.constant 4 : i32
    %swap3A_258 = arith.index_cast %swap3A_257 : i32 to index
    %swap3A_259 = arith.constant 0 : index
    %swap3A_260 = tpu.vector_load %arg13[%swap3A_258, %swap3A_259] {strides = array<i32>} : memref<16x128xf32, #tpu.memory_space<vmem>>, vector<1x16xf32>,
    %swap3A_261 = vector.shape_cast %swap3A_260 : vector<1x16xf32> to vector<16xf32>
    %swap3A_262 = vector.shape_cast %broadcast_in_dim3A_256 : vector<16xf32> to vector<1x16xf32>
    tpu.vector_store %arg13[%swap3A_258, %swap3A_259], %swap3A_262 {strides = array<i32>} : memref<16x128xf32, #tpu.memory_space<vmem>>, vector<1x16xf32>,
    %broadcast_in_dim3A_263 = arith.constant 0.000000e+00 : f32
    %broadcast_in_dim3A_264 = vector.broadcast %broadcast_in_dim3A_263 : f32 to vector<16xf32>
    %swap3A_265 = arith.constant 4 : i32
    %swap3A_266 = arith.index_cast %swap3A_265 : i32 to index
    %swap3A_267 = arith.constant 16 : index
    %swap3A_268 = tpu.vector_load %arg13[%swap3A_266, %swap3A_267] {strides = array<i32>} : memref<16x128xf32, #tpu.memory_space<vmem>>, vector<1x16xf32>,
    %swap3A_269 = vector.shape_cast %swap3A_268 : vector<1x16xf32> to vector<16xf32>
    %swap3A_270 = vector.shape_cast %broadcast_in_dim3A_264 : vector<16xf32> to vector<1x16xf32>
    tpu.vector_store %arg13[%swap3A_266, %swap3A_267], %swap3A_270 {strides = array<i32>} : memref<16x128xf32, #tpu.memory_space<vmem>>, vector<1x16xf32>,
    %broadcast_in_dim3A_271 = arith.constant 0.000000e+00 : f32
    %broadcast_in_dim3A_272 = vector.broadcast %broadcast_in_dim3A_271 : f32 to vector<16xf32>
    %swap3A_273 = arith.constant 4 : i32
    %swap3A_274 = arith.index_cast %swap3A_273 : i32 to index
    %swap3A_275 = arith.constant 32 : index
    %swap3A_276 = tpu.vector_load %arg13[%swap3A_274, %swap3A_275] {strides = array<i32>} : memref<16x128xf32, #tpu.memory_space<vmem>>, vector<1x16xf32>,
    %swap3A_277 = vector.shape_cast %swap3A_276 : vector<1x16xf32> to vector<16xf32>
    %swap3A_278 = vector.shape_cast %broadcast_in_dim3A_272 : vector<16xf32> to vector<1x16xf32>
    tpu.vector_store %arg13[%swap3A_274, %swap3A_275], %swap3A_278 {strides = array<i32>} : memref<16x128xf32, #tpu.memory_space<vmem>>, vector<1x16xf32>,
    %broadcast_in_dim3A_279 = arith.constant 0.000000e+00 : f32
    %broadcast_in_dim3A_280 = vector.broadcast %broadcast_in_dim3A_279 : f32 to vector<16xf32>
    %swap3A_281 = arith.constant 4 : i32
    %swap3A_282 = arith.index_cast %swap3A_281 : i32 to index
    %swap3A_283 = arith.constant 48 : index
    %swap3A_284 = tpu.vector_load %arg13[%swap3A_282, %swap3A_283] {strides = array<i32>} : memref<16x128xf32, #tpu.memory_space<vmem>>, vector<1x16xf32>,
    %swap3A_285 = vector.shape_cast %swap3A_284 : vector<1x16xf32> to vector<16xf32>
    %swap3A_286 = vector.shape_cast %broadcast_in_dim3A_280 : vector<16xf32> to vector<1x16xf32>
    tpu.vector_store %arg13[%swap3A_282, %swap3A_283], %swap3A_286 {strides = array<i32>} : memref<16x128xf32, #tpu.memory_space<vmem>>, vector<1x16xf32>,
    %broadcast_in_dim3A_287 = arith.constant 0.000000e+00 : f32
    %broadcast_in_dim3A_288 = vector.broadcast %broadcast_in_dim3A_287 : f32 to vector<16xf32>
    %swap3A_289 = arith.constant 4 : i32
    %swap3A_290 = arith.index_cast %swap3A_289 : i32 to index
    %swap3A_291 = arith.constant 64 : index
    %swap3A_292 = tpu.vector_load %arg13[%swap3A_290, %swap3A_291] {strides = array<i32>} : memref<16x128xf32, #tpu.memory_space<vmem>>, vector<1x16xf32>,
    %swap3A_293 = vector.shape_cast %swap3A_292 : vector<1x16xf32> to vector<16xf32>
    %swap3A_294 = vector.shape_cast %broadcast_in_dim3A_288 : vector<16xf32> to vector<1x16xf32>
    tpu.vector_store %arg13[%swap3A_290, %swap3A_291], %swap3A_294 {strides = array<i32>} : memref<16x128xf32, #tpu.memory_space<vmem>>, vector<1x16xf32>,
    %broadcast_in_dim3A_295 = arith.constant 0.000000e+00 : f32
    %broadcast_in_dim3A_296 = vector.broadcast %broadcast_in_dim3A_295 : f32 to vector<16xf32>
    %swap3A_297 = arith.constant 4 : i32
    %swap3A_298 = arith.index_cast %swap3A_297 : i32 to index
    %swap3A_299 = arith.constant 80 : index
    %swap3A_300 = tpu.vector_load %arg13[%swap3A_298, %swap3A_299] {strides = array<i32>} : memref<16x128xf32, #tpu.memory_space<vmem>>, vector<1x16xf32>,
    %swap3A_301 = vector.shape_cast %swap3A_300 : vector<1x16xf32> to vector<16xf32>
    %swap3A_302 = vector.shape_cast %broadcast_in_dim3A_296 : vector<16xf32> to vector<1x16xf32>
    tpu.vector_store %arg13[%swap3A_298, %swap3A_299], %swap3A_302 {strides = array<i32>} : memref<16x128xf32, #tpu.memory_space<vmem>>, vector<1x16xf32>,
    %broadcast_in_dim3A_303 = arith.constant 0.000000e+00 : f32
    %broadcast_in_dim3A_304 = vector.broadcast %broadcast_in_dim3A_303 : f32 to vector<16xf32>
    %swap3A_305 = arith.constant 4 : i32
    %swap3A_306 = arith.index_cast %swap3A_305 : i32 to index
    %swap3A_307 = arith.constant 96 : index
    %swap3A_308 = tpu.vector_load %arg13[%swap3A_306, %swap3A_307] {strides = array<i32>} : memref<16x128xf32, #tpu.memory_space<vmem>>, vector<1x16xf32>,
    %swap3A_309 = vector.shape_cast %swap3A_308 : vector<1x16xf32> to vector<16xf32>
    %swap3A_310 = vector.shape_cast %broadcast_in_dim3A_304 : vector<16xf32> to vector<1x16xf32>
    tpu.vector_store %arg13[%swap3A_306, %swap3A_307], %swap3A_310 {strides = array<i32>} : memref<16x128xf32, #tpu.memory_space<vmem>>, vector<1x16xf32>,
    %broadcast_in_dim3A_311 = arith.constant 0.000000e+00 : f32
    %broadcast_in_dim3A_312 = vector.broadcast %broadcast_in_dim3A_311 : f32 to vector<16xf32>
    %swap3A_313 = arith.constant 4 : i32
    %swap3A_314 = arith.index_cast %swap3A_313 : i32 to index
    %swap3A_315 = arith.constant 112 : index
    %swap3A_316 = tpu.vector_load %arg13[%swap3A_314, %swap3A_315] {strides = array<i32>} : memref<16x128xf32, #tpu.memory_space<vmem>>, vector<1x16xf32>,
    %swap3A_317 = vector.shape_cast %swap3A_316 : vector<1x16xf32> to vector<16xf32>
    %swap3A_318 = vector.shape_cast %broadcast_in_dim3A_312 : vector<16xf32> to vector<1x16xf32>
    tpu.vector_store %arg13[%swap3A_314, %swap3A_315], %swap3A_318 {strides = array<i32>} : memref<16x128xf32, #tpu.memory_space<vmem>>, vector<1x16xf32>,
    %broadcast_in_dim3A_319 = arith.constant 0.000000e+00 : f32
    %broadcast_in_dim3A_320 = vector.broadcast %broadcast_in_dim3A_319 : f32 to vector<16xf32>
    %swap3A_321 = arith.constant 5 : i32
    %swap3A_322 = arith.index_cast %swap3A_321 : i32 to index
    %swap3A_323 = arith.constant 0 : index
    %swap3A_324 = tpu.vector_load %arg13[%swap3A_322, %swap3A_323] {strides = array<i32>} : memref<16x128xf32, #tpu.memory_space<vmem>>, vector<1x16xf32>,
    %swap3A_325 = vector.shape_cast %swap3A_324 : vector<1x16xf32> to vector<16xf32>
    %swap3A_326 = vector.shape_cast %broadcast_in_dim3A_320 : vector<16xf32> to vector<1x16xf32>
    tpu.vector_store %arg13[%swap3A_322, %swap3A_323], %swap3A_326 {strides = array<i32>} : memref<16x128xf32, #tpu.memory_space<vmem>>, vector<1x16xf32>,
    %broadcast_in_dim3A_327 = arith.constant 0.000000e+00 : f32
    %broadcast_in_dim3A_328 = vector.broadcast %broadcast_in_dim3A_327 : f32 to vector<16xf32>
    %swap3A_329 = arith.constant 5 : i32
    %swap3A_330 = arith.index_cast %swap3A_329 : i32 to index
    %swap3A_331 = arith.constant 16 : index
    %swap3A_332 = tpu.vector_load %arg13[%swap3A_330, %swap3A_331] {strides = array<i32>} : memref<16x128xf32, #tpu.memory_space<vmem>>, vector<1x16xf32>,
    %swap3A_333 = vector.shape_cast %swap3A_332 : vector<1x16xf32> to vector<16xf32>
    %swap3A_334 = vector.shape_cast %broadcast_in_dim3A_328 : vector<16xf32> to vector<1x16xf32>
    tpu.vector_store %arg13[%swap3A_330, %swap3A_331], %swap3A_334 {strides = array<i32>} : memref<16x128xf32, #tpu.memory_space<vmem>>, vector<1x16xf32>,
    %broadcast_in_dim3A_335 = arith.constant 0.000000e+00 : f32
    %broadcast_in_dim3A_336 = vector.broadcast %broadcast_in_dim3A_335 : f32 to vector<16xf32>
    %swap3A_337 = arith.constant 5 : i32
    %swap3A_338 = arith.index_cast %swap3A_337 : i32 to index
    %swap3A_339 = arith.constant 32 : index
    %swap3A_340 = tpu.vector_load %arg13[%swap3A_338, %swap3A_339] {strides = array<i32>} : memref<16x128xf32, #tpu.memory_space<vmem>>, vector<1x16xf32>,
    %swap3A_341 = vector.shape_cast %swap3A_340 : vector<1x16xf32> to vector<16xf32>
    %swap3A_342 = vector.shape_cast %broadcast_in_dim3A_336 : vector<16xf32> to vector<1x16xf32>
    tpu.vector_store %arg13[%swap3A_338, %swap3A_339], %swap3A_342 {strides = array<i32>} : memref<16x128xf32, #tpu.memory_space<vmem>>, vector<1x16xf32>,
    %broadcast_in_dim3A_343 = arith.constant 0.000000e+00 : f32
    %broadcast_in_dim3A_344 = vector.broadcast %broadcast_in_dim3A_343 : f32 to vector<16xf32>
    %swap3A_345 = arith.constant 5 : i32
    %swap3A_346 = arith.index_cast %swap3A_345 : i32 to index
    %swap3A_347 = arith.constant 48 : index
    %swap3A_348 = tpu.vector_load %arg13[%swap3A_346, %swap3A_347] {strides = array<i32>} : memref<16x128xf32, #tpu.memory_space<vmem>>, vector<1x16xf32>,
    %swap3A_349 = vector.shape_cast %swap3A_348 : vector<1x16xf32> to vector<16xf32>
    %swap3A_350 = vector.shape_cast %broadcast_in_dim3A_344 : vector<16xf32> to vector<1x16xf32>
    tpu.vector_store %arg13[%swap3A_346, %swap3A_347], %swap3A_350 {strides = array<i32>} : memref<16x128xf32, #tpu.memory_space<vmem>>, vector<1x16xf32>,
    %broadcast_in_dim3A_351 = arith.constant 0.000000e+00 : f32
    %broadcast_in_dim3A_352 = vector.broadcast %broadcast_in_dim3A_351 : f32 to vector<16xf32>
    %swap3A_353 = arith.constant 5 : i32
    %swap3A_354 = arith.index_cast %swap3A_353 : i32 to index
    %swap3A_355 = arith.constant 64 : index
    %swap3A_356 = tpu.vector_load %arg13[%swap3A_354, %swap3A_355] {strides = array<i32>} : memref<16x128xf32, #tpu.memory_space<vmem>>, vector<1x16xf32>,
    %swap3A_357 = vector.shape_cast %swap3A_356 : vector<1x16xf32> to vector<16xf32>
    %swap3A_358 = vector.shape_cast %broadcast_in_dim3A_352 : vector<16xf32> to vector<1x16xf32>
    tpu.vector_store %arg13[%swap3A_354, %swap3A_355], %swap3A_358 {strides = array<i32>} : memref<16x128xf32, #tpu.memory_space<vmem>>, vector<1x16xf32>,
    %broadcast_in_dim3A_359 = arith.constant 0.000000e+00 : f32
    %broadcast_in_dim3A_360 = vector.broadcast %broadcast_in_dim3A_359 : f32 to vector<16xf32>
    %swap3A_361 = arith.constant 5 : i32
    %swap3A_362 = arith.index_cast %swap3A_361 : i32 to index
    %swap3A_363 = arith.constant 80 : index
    %swap3A_364 = tpu.vector_load %arg13[%swap3A_362, %swap3A_363] {strides = array<i32>} : memref<16x128xf32, #tpu.memory_space<vmem>>, vector<1x16xf32>,
    %swap3A_365 = vector.shape_cast %swap3A_364 : vector<1x16xf32> to vector<16xf32>
    %swap3A_366 = vector.shape_cast %broadcast_in_dim3A_360 : vector<16xf32> to vector<1x16xf32>
    tpu.vector_store %arg13[%swap3A_362, %swap3A_363], %swap3A_366 {strides = array<i32>} : memref<16x128xf32, #tpu.memory_space<vmem>>, vector<1x16xf32>,
    %broadcast_in_dim3A_367 = arith.constant 0.000000e+00 : f32
    %broadcast_in_dim3A_368 = vector.broadcast %broadcast_in_dim3A_367 : f32 to vector<16xf32>
    %swap3A_369 = arith.constant 5 : i32
    %swap3A_370 = arith.index_cast %swap3A_369 : i32 to index
    %swap3A_371 = arith.constant 96 : index
    %swap3A_372 = tpu.vector_load %arg13[%swap3A_370, %swap3A_371] {strides = array<i32>} : memref<16x128xf32, #tpu.memory_space<vmem>>, vector<1x16xf32>,
    %swap3A_373 = vector.shape_cast %swap3A_372 : vector<1x16xf32> to vector<16xf32>
    %swap3A_374 = vector.shape_cast %broadcast_in_dim3A_368 : vector<16xf32> to vector<1x16xf32>
    tpu.vector_store %arg13[%swap3A_370, %swap3A_371], %swap3A_374 {strides = array<i32>} : memref<16x128xf32, #tpu.memory_space<vmem>>, vector<1x16xf32>,
    %broadcast_in_dim3A_375 = arith.constant 0.000000e+00 : f32
    %broadcast_in_dim3A_376 = vector.broadcast %broadcast_in_dim3A_375 : f32 to vector<16xf32>
    %swap3A_377 = arith.constant 5 : i32
    %swap3A_378 = arith.index_cast %swap3A_377 : i32 to index
    %swap3A_379 = arith.constant 112 : index
    %swap3A_380 = tpu.vector_load %arg13[%swap3A_378, %swap3A_379] {strides = array<i32>} : memref<16x128xf32, #tpu.memory_space<vmem>>, vector<1x16xf32>,
    %swap3A_381 = vector.shape_cast %swap3A_380 : vector<1x16xf32> to vector<16xf32>
    %swap3A_382 = vector.shape_cast %broadcast_in_dim3A_376 : vector<16xf32> to vector<1x16xf32>
    tpu.vector_store %arg13[%swap3A_378, %swap3A_379], %swap3A_382 {strides = array<i32>} : memref<16x128xf32, #tpu.memory_space<vmem>>, vector<1x16xf32>,
    %broadcast_in_dim3A_383 = arith.constant 0.000000e+00 : f32
    %broadcast_in_dim3A_384 = vector.broadcast %broadcast_in_dim3A_383 : f32 to vector<16xf32>
    %swap3A_385 = arith.constant 6 : i32
    %swap3A_386 = arith.index_cast %swap3A_385 : i32 to index
    %swap3A_387 = arith.constant 0 : index
    %swap3A_388 = tpu.vector_load %arg13[%swap3A_386, %swap3A_387] {strides = array<i32>} : memref<16x128xf32, #tpu.memory_space<vmem>>, vector<1x16xf32>,
    %swap3A_389 = vector.shape_cast %swap3A_388 : vector<1x16xf32> to vector<16xf32>
    %swap3A_390 = vector.shape_cast %broadcast_in_dim3A_384 : vector<16xf32> to vector<1x16xf32>
    tpu.vector_store %arg13[%swap3A_386, %swap3A_387], %swap3A_390 {strides = array<i32>} : memref<16x128xf32, #tpu.memory_space<vmem>>, vector<1x16xf32>,
    %broadcast_in_dim3A_391 = arith.constant 0.000000e+00 : f32
    %broadcast_in_dim3A_392 = vector.broadcast %broadcast_in_dim3A_391 : f32 to vector<16xf32>
    %swap3A_393 = arith.constant 6 : i32
    %swap3A_394 = arith.index_cast %swap3A_393 : i32 to index
    %swap3A_395 = arith.constant 16 : index
    %swap3A_396 = tpu.vector_load %arg13[%swap3A_394, %swap3A_395] {strides = array<i32>} : memref<16x128xf32, #tpu.memory_space<vmem>>, vector<1x16xf32>,
    %swap3A_397 = vector.shape_cast %swap3A_396 : vector<1x16xf32> to vector<16xf32>
    %swap3A_398 = vector.shape_cast %broadcast_in_dim3A_392 : vector<16xf32> to vector<1x16xf32>
    tpu.vector_store %arg13[%swap3A_394, %swap3A_395], %swap3A_398 {strides = array<i32>} : memref<16x128xf32, #tpu.memory_space<vmem>>, vector<1x16xf32>,
    %broadcast_in_dim3A_399 = arith.constant 0.000000e+00 : f32
    %broadcast_in_dim3A_400 = vector.broadcast %broadcast_in_dim3A_399 : f32 to vector<16xf32>
    %swap3A_401 = arith.constant 6 : i32
    %swap3A_402 = arith.index_cast %swap3A_401 : i32 to index
    %swap3A_403 = arith.constant 32 : index
    %swap3A_404 = tpu.vector_load %arg13[%swap3A_402, %swap3A_403] {strides = array<i32>} : memref<16x128xf32, #tpu.memory_space<vmem>>, vector<1x16xf32>,
    %swap3A_405 = vector.shape_cast %swap3A_404 : vector<1x16xf32> to vector<16xf32>
    %swap3A_406 = vector.shape_cast %broadcast_in_dim3A_400 : vector<16xf32> to vector<1x16xf32>
    tpu.vector_store %arg13[%swap3A_402, %swap3A_403], %swap3A_406 {strides = array<i32>} : memref<16x128xf32, #tpu.memory_space<vmem>>, vector<1x16xf32>,
    %broadcast_in_dim3A_407 = arith.constant 0.000000e+00 : f32
    %broadcast_in_dim3A_408 = vector.broadcast %broadcast_in_dim3A_407 : f32 to vector<16xf32>
    %swap3A_409 = arith.constant 6 : i32
    %swap3A_410 = arith.index_cast %swap3A_409 : i32 to index
    %swap3A_411 = arith.constant 48 : index
    %swap3A_412 = tpu.vector_load %arg13[%swap3A_410, %swap3A_411] {strides = array<i32>} : memref<16x128xf32, #tpu.memory_space<vmem>>, vector<1x16xf32>,
    %swap3A_413 = vector.shape_cast %swap3A_412 : vector<1x16xf32> to vector<16xf32>
    %swap3A_414 = vector.shape_cast %broadcast_in_dim3A_408 : vector<16xf32> to vector<1x16xf32>
    tpu.vector_store %arg13[%swap3A_410, %swap3A_411], %swap3A_414 {strides = array<i32>} : memref<16x128xf32, #tpu.memory_space<vmem>>, vector<1x16xf32>,
    %broadcast_in_dim3A_415 = arith.constant 0.000000e+00 : f32
    %broadcast_in_dim3A_416 = vector.broadcast %broadcast_in_dim3A_415 : f32 to vector<16xf32>
    %swap3A_417 = arith.constant 6 : i32
    %swap3A_418 = arith.index_cast %swap3A_417 : i32 to index
    %swap3A_419 = arith.constant 64 : index
    %swap3A_420 = tpu.vector_load %arg13[%swap3A_418, %swap3A_419] {strides = array<i32>} : memref<16x128xf32, #tpu.memory_space<vmem>>, vector<1x16xf32>,
    %swap3A_421 = vector.shape_cast %swap3A_420 : vector<1x16xf32> to vector<16xf32>
    %swap3A_422 = vector.shape_cast %broadcast_in_dim3A_416 : vector<16xf32> to vector<1x16xf32>
    tpu.vector_store %arg13[%swap3A_418, %swap3A_419], %swap3A_422 {strides = array<i32>} : memref<16x128xf32, #tpu.memory_space<vmem>>, vector<1x16xf32>,
    %broadcast_in_dim3A_423 = arith.constant 0.000000e+00 : f32
    %broadcast_in_dim3A_424 = vector.broadcast %broadcast_in_dim3A_423 : f32 to vector<16xf32>
    %swap3A_425 = arith.constant 6 : i32
    %swap3A_426 = arith.index_cast %swap3A_425 : i32 to index
    %swap3A_427 = arith.constant 80 : index
    %swap3A_428 = tpu.vector_load %arg13[%swap3A_426, %swap3A_427] {strides = array<i32>} : memref<16x128xf32, #tpu.memory_space<vmem>>, vector<1x16xf32>,
    %swap3A_429 = vector.shape_cast %swap3A_428 : vector<1x16xf32> to vector<16xf32>
    %swap3A_430 = vector.shape_cast %broadcast_in_dim3A_424 : vector<16xf32> to vector<1x16xf32>
    tpu.vector_store %arg13[%swap3A_426, %swap3A_427], %swap3A_430 {strides = array<i32>} : memref<16x128xf32, #tpu.memory_space<vmem>>, vector<1x16xf32>,
    %broadcast_in_dim3A_431 = arith.constant 0.000000e+00 : f32
    %broadcast_in_dim3A_432 = vector.broadcast %broadcast_in_dim3A_431 : f32 to vector<16xf32>
    %swap3A_433 = arith.constant 6 : i32
    %swap3A_434 = arith.index_cast %swap3A_433 : i32 to index
    %swap3A_435 = arith.constant 96 : index
    %swap3A_436 = tpu.vector_load %arg13[%swap3A_434, %swap3A_435] {strides = array<i32>} : memref<16x128xf32, #tpu.memory_space<vmem>>, vector<1x16xf32>,
    %swap3A_437 = vector.shape_cast %swap3A_436 : vector<1x16xf32> to vector<16xf32>
    %swap3A_438 = vector.shape_cast %broadcast_in_dim3A_432 : vector<16xf32> to vector<1x16xf32>
    tpu.vector_store %arg13[%swap3A_434, %swap3A_435], %swap3A_438 {strides = array<i32>} : memref<16x128xf32, #tpu.memory_space<vmem>>, vector<1x16xf32>,
    %broadcast_in_dim3A_439 = arith.constant 0.000000e+00 : f32
    %broadcast_in_dim3A_440 = vector.broadcast %broadcast_in_dim3A_439 : f32 to vector<16xf32>
    %swap3A_441 = arith.constant 6 : i32
    %swap3A_442 = arith.index_cast %swap3A_441 : i32 to index
    %swap3A_443 = arith.constant 112 : index
    %swap3A_444 = tpu.vector_load %arg13[%swap3A_442, %swap3A_443] {strides = array<i32>} : memref<16x128xf32, #tpu.memory_space<vmem>>, vector<1x16xf32>,
    %swap3A_445 = vector.shape_cast %swap3A_444 : vector<1x16xf32> to vector<16xf32>
    %swap3A_446 = vector.shape_cast %broadcast_in_dim3A_440 : vector<16xf32> to vector<1x16xf32>
    tpu.vector_store %arg13[%swap3A_442, %swap3A_443], %swap3A_446 {strides = array<i32>} : memref<16x128xf32, #tpu.memory_space<vmem>>, vector<1x16xf32>,
    %broadcast_in_dim3A_447 = arith.constant 0.000000e+00 : f32
    %broadcast_in_dim3A_448 = vector.broadcast %broadcast_in_dim3A_447 : f32 to vector<16xf32>
    %swap3A_449 = arith.constant 7 : i32
    %swap3A_450 = arith.index_cast %swap3A_449 : i32 to index
    %swap3A_451 = arith.constant 0 : index
    %swap3A_452 = tpu.vector_load %arg13[%swap3A_450, %swap3A_451] {strides = array<i32>} : memref<16x128xf32, #tpu.memory_space<vmem>>, vector<1x16xf32>,
    %swap3A_453 = vector.shape_cast %swap3A_452 : vector<1x16xf32> to vector<16xf32>
    %swap3A_454 = vector.shape_cast %broadcast_in_dim3A_448 : vector<16xf32> to vector<1x16xf32>
    tpu.vector_store %arg13[%swap3A_450, %swap3A_451], %swap3A_454 {strides = array<i32>} : memref<16x128xf32, #tpu.memory_space<vmem>>, vector<1x16xf32>,
    %broadcast_in_dim3A_455 = arith.constant 0.000000e+00 : f32
    %broadcast_in_dim3A_456 = vector.broadcast %broadcast_in_dim3A_455 : f32 to vector<16xf32>
    %swap3A_457 = arith.constant 7 : i32
    %swap3A_458 = arith.index_cast %swap3A_457 : i32 to index
    %swap3A_459 = arith.constant 16 : index
    %swap3A_460 = tpu.vector_load %arg13[%swap3A_458, %swap3A_459] {strides = array<i32>} : memref<16x128xf32, #tpu.memory_space<vmem>>, vector<1x16xf32>,
    %swap3A_461 = vector.shape_cast %swap3A_460 : vector<1x16xf32> to vector<16xf32>
    %swap3A_462 = vector.shape_cast %broadcast_in_dim3A_456 : vector<16xf32> to vector<1x16xf32>
    tpu.vector_store %arg13[%swap3A_458, %swap3A_459], %swap3A_462 {strides = array<i32>} : memref<16x128xf32, #tpu.memory_space<vmem>>, vector<1x16xf32>,
    %broadcast_in_dim3A_463 = arith.constant 0.000000e+00 : f32
    %broadcast_in_dim3A_464 = vector.broadcast %broadcast_in_dim3A_463 : f32 to vector<16xf32>
    %swap3A_465 = arith.constant 7 : i32
    %swap3A_466 = arith.index_cast %swap3A_465 : i32 to index
    %swap3A_467 = arith.constant 32 : index
    %swap3A_468 = tpu.vector_load %arg13[%swap3A_466, %swap3A_467] {strides = array<i32>} : memref<16x128xf32, #tpu.memory_space<vmem>>, vector<1x16xf32>,
    %swap3A_469 = vector.shape_cast %swap3A_468 : vector<1x16xf32> to vector<16xf32>
    %swap3A_470 = vector.shape_cast %broadcast_in_dim3A_464 : vector<16xf32> to vector<1x16xf32>
    tpu.vector_store %arg13[%swap3A_466, %swap3A_467], %swap3A_470 {strides = array<i32>} : memref<16x128xf32, #tpu.memory_space<vmem>>, vector<1x16xf32>,
    %broadcast_in_dim3A_471 = arith.constant 0.000000e+00 : f32
    %broadcast_in_dim3A_472 = vector.broadcast %broadcast_in_dim3A_471 : f32 to vector<16xf32>
    %swap3A_473 = arith.constant 7 : i32
    %swap3A_474 = arith.index_cast %swap3A_473 : i32 to index
    %swap3A_475 = arith.constant 48 : index
    %swap3A_476 = tpu.vector_load %arg13[%swap3A_474, %swap3A_475] {strides = array<i32>} : memref<16x128xf32, #tpu.memory_space<vmem>>, vector<1x16xf32>,
    %swap3A_477 = vector.shape_cast %swap3A_476 : vector<1x16xf32> to vector<16xf32>
    %swap3A_478 = vector.shape_cast %broadcast_in_dim3A_472 : vector<16xf32> to vector<1x16xf32>
    tpu.vector_store %arg13[%swap3A_474, %swap3A_475], %swap3A_478 {strides = array<i32>} : memref<16x128xf32, #tpu.memory_space<vmem>>, vector<1x16xf32>,
    %broadcast_in_dim3A_479 = arith.constant 0.000000e+00 : f32
    %broadcast_in_dim3A_480 = vector.broadcast %broadcast_in_dim3A_479 : f32 to vector<16xf32>
    %swap3A_481 = arith.constant 7 : i32
    %swap3A_482 = arith.index_cast %swap3A_481 : i32 to index
    %swap3A_483 = arith.constant 64 : index
    %swap3A_484 = tpu.vector_load %arg13[%swap3A_482, %swap3A_483] {strides = array<i32>} : memref<16x128xf32, #tpu.memory_space<vmem>>, vector<1x16xf32>,
    %swap3A_485 = vector.shape_cast %swap3A_484 : vector<1x16xf32> to vector<16xf32>
    %swap3A_486 = vector.shape_cast %broadcast_in_dim3A_480 : vector<16xf32> to vector<1x16xf32>
    tpu.vector_store %arg13[%swap3A_482, %swap3A_483], %swap3A_486 {strides = array<i32>} : memref<16x128xf32, #tpu.memory_space<vmem>>, vector<1x16xf32>,
    %broadcast_in_dim3A_487 = arith.constant 0.000000e+00 : f32
    %broadcast_in_dim3A_488 = vector.broadcast %broadcast_in_dim3A_487 : f32 to vector<16xf32>
    %swap3A_489 = arith.constant 7 : i32
    %swap3A_490 = arith.index_cast %swap3A_489 : i32 to index
    %swap3A_491 = arith.constant 80 : index
    %swap3A_492 = tpu.vector_load %arg13[%swap3A_490, %swap3A_491] {strides = array<i32>} : memref<16x128xf32, #tpu.memory_space<vmem>>, vector<1x16xf32>,
    %swap3A_493 = vector.shape_cast %swap3A_492 : vector<1x16xf32> to vector<16xf32>
    %swap3A_494 = vector.shape_cast %broadcast_in_dim3A_488 : vector<16xf32> to vector<1x16xf32>
    tpu.vector_store %arg13[%swap3A_490, %swap3A_491], %swap3A_494 {strides = array<i32>} : memref<16x128xf32, #tpu.memory_space<vmem>>, vector<1x16xf32>,
    %broadcast_in_dim3A_495 = arith.constant 0.000000e+00 : f32
    %broadcast_in_dim3A_496 = vector.broadcast %broadcast_in_dim3A_495 : f32 to vector<16xf32>
    %swap3A_497 = arith.constant 7 : i32
    %swap3A_498 = arith.index_cast %swap3A_497 : i32 to index
    %swap3A_499 = arith.constant 96 : index
    %swap3A_500 = tpu.vector_load %arg13[%swap3A_498, %swap3A_499] {strides = array<i32>} : memref<16x128xf32, #tpu.memory_space<vmem>>, vector<1x16xf32>,
    %swap3A_501 = vector.shape_cast %swap3A_500 : vector<1x16xf32> to vector<16xf32>
    %swap3A_502 = vector.shape_cast %broadcast_in_dim3A_496 : vector<16xf32> to vector<1x16xf32>
    tpu.vector_store %arg13[%swap3A_498, %swap3A_499], %swap3A_502 {strides = array<i32>} : memref<16x128xf32, #tpu.memory_space<vmem>>, vector<1x16xf32>,
    %broadcast_in_dim3A_503 = arith.constant 0.000000e+00 : f32
    %broadcast_in_dim3A_504 = vector.broadcast %broadcast_in_dim3A_503 : f32 to vector<16xf32>
    %swap3A_505 = arith.constant 7 : i32
    %swap3A_506 = arith.index_cast %swap3A_505 : i32 to index
    %swap3A_507 = arith.constant 112 : index
    %swap3A_508 = tpu.vector_load %arg13[%swap3A_506, %swap3A_507] {strides = array<i32>} : memref<16x128xf32, #tpu.memory_space<vmem>>, vector<1x16xf32>,
    %swap3A_509 = vector.shape_cast %swap3A_508 : vector<1x16xf32> to vector<16xf32>
    %swap3A_510 = vector.shape_cast %broadcast_in_dim3A_504 : vector<16xf32> to vector<1x16xf32>
    tpu.vector_store %arg13[%swap3A_506, %swap3A_507], %swap3A_510 {strides = array<i32>} : memref<16x128xf32, #tpu.memory_space<vmem>>, vector<1x16xf32>,
    %broadcast_in_dim3A_511 = arith.constant 0.000000e+00 : f32
    %broadcast_in_dim3A_512 = vector.broadcast %broadcast_in_dim3A_511 : f32 to vector<16xf32>
    %swap3A_513 = arith.constant 8 : i32
    %swap3A_514 = arith.index_cast %swap3A_513 : i32 to index
    %swap3A_515 = arith.constant 0 : index
    %swap3A_516 = tpu.vector_load %arg13[%swap3A_514, %swap3A_515] {strides = array<i32>} : memref<16x128xf32, #tpu.memory_space<vmem>>, vector<1x16xf32>,
    %swap3A_517 = vector.shape_cast %swap3A_516 : vector<1x16xf32> to vector<16xf32>
    %swap3A_518 = vector.shape_cast %broadcast_in_dim3A_512 : vector<16xf32> to vector<1x16xf32>
    tpu.vector_store %arg13[%swap3A_514, %swap3A_515], %swap3A_518 {strides = array<i32>} : memref<16x128xf32, #tpu.memory_space<vmem>>, vector<1x16xf32>,
    %broadcast_in_dim3A_519 = arith.constant 0.000000e+00 : f32
    %broadcast_in_dim3A_520 = vector.broadcast %broadcast_in_dim3A_519 : f32 to vector<16xf32>
    %swap3A_521 = arith.constant 8 : i32
    %swap3A_522 = arith.index_cast %swap3A_521 : i32 to index
    %swap3A_523 = arith.constant 16 : index
    %swap3A_524 = tpu.vector_load %arg13[%swap3A_522, %swap3A_523] {strides = array<i32>} : memref<16x128xf32, #tpu.memory_space<vmem>>, vector<1x16xf32>,
    %swap3A_525 = vector.shape_cast %swap3A_524 : vector<1x16xf32> to vector<16xf32>
    %swap3A_526 = vector.shape_cast %broadcast_in_dim3A_520 : vector<16xf32> to vector<1x16xf32>
    tpu.vector_store %arg13[%swap3A_522, %swap3A_523], %swap3A_526 {strides = array<i32>} : memref<16x128xf32, #tpu.memory_space<vmem>>, vector<1x16xf32>,
    %broadcast_in_dim3A_527 = arith.constant 0.000000e+00 : f32
    %broadcast_in_dim3A_528 = vector.broadcast %broadcast_in_dim3A_527 : f32 to vector<16xf32>
    %swap3A_529 = arith.constant 8 : i32
    %swap3A_530 = arith.index_cast %swap3A_529 : i32 to index
    %swap3A_531 = arith.constant 32 : index
    %swap3A_532 = tpu.vector_load %arg13[%swap3A_530, %swap3A_531] {strides = array<i32>} : memref<16x128xf32, #tpu.memory_space<vmem>>, vector<1x16xf32>,
    %swap3A_533 = vector.shape_cast %swap3A_532 : vector<1x16xf32> to vector<16xf32>
    %swap3A_534 = vector.shape_cast %broadcast_in_dim3A_528 : vector<16xf32> to vector<1x16xf32>
    tpu.vector_store %arg13[%swap3A_530, %swap3A_531], %swap3A_534 {strides = array<i32>} : memref<16x128xf32, #tpu.memory_space<vmem>>, vector<1x16xf32>,
    %broadcast_in_dim3A_535 = arith.constant 0.000000e+00 : f32
    %broadcast_in_dim3A_536 = vector.broadcast %broadcast_in_dim3A_535 : f32 to vector<16xf32>
    %swap3A_537 = arith.constant 8 : i32
    %swap3A_538 = arith.index_cast %swap3A_537 : i32 to index
    %swap3A_539 = arith.constant 48 : index
    %swap3A_540 = tpu.vector_load %arg13[%swap3A_538, %swap3A_539] {strides = array<i32>} : memref<16x128xf32, #tpu.memory_space<vmem>>, vector<1x16xf32>,
    %swap3A_541 = vector.shape_cast %swap3A_540 : vector<1x16xf32> to vector<16xf32>
    %swap3A_542 = vector.shape_cast %broadcast_in_dim3A_536 : vector<16xf32> to vector<1x16xf32>
    tpu.vector_store %arg13[%swap3A_538, %swap3A_539], %swap3A_542 {strides = array<i32>} : memref<16x128xf32, #tpu.memory_space<vmem>>, vector<1x16xf32>,
    %broadcast_in_dim3A_543 = arith.constant 0.000000e+00 : f32
    %broadcast_in_dim3A_544 = vector.broadcast %broadcast_in_dim3A_543 : f32 to vector<16xf32>
    %swap3A_545 = arith.constant 8 : i32
    %swap3A_546 = arith.index_cast %swap3A_545 : i32 to index
    %swap3A_547 = arith.constant 64 : index
    %swap3A_548 = tpu.vector_load %arg13[%swap3A_546, %swap3A_547] {strides = array<i32>} : memref<16x128xf32, #tpu.memory_space<vmem>>, vector<1x16xf32>,
    %swap3A_549 = vector.shape_cast %swap3A_548 : vector<1x16xf32> to vector<16xf32>
    %swap3A_550 = vector.shape_cast %broadcast_in_dim3A_544 : vector<16xf32> to vector<1x16xf32>
    tpu.vector_store %arg13[%swap3A_546, %swap3A_547], %swap3A_550 {strides = array<i32>} : memref<16x128xf32, #tpu.memory_space<vmem>>, vector<1x16xf32>,
    %broadcast_in_dim3A_551 = arith.constant 0.000000e+00 : f32
    %broadcast_in_dim3A_552 = vector.broadcast %broadcast_in_dim3A_551 : f32 to vector<16xf32>
    %swap3A_553 = arith.constant 8 : i32
    %swap3A_554 = arith.index_cast %swap3A_553 : i32 to index
    %swap3A_555 = arith.constant 80 : index
    %swap3A_556 = tpu.vector_load %arg13[%swap3A_554, %swap3A_555] {strides = array<i32>} : memref<16x128xf32, #tpu.memory_space<vmem>>, vector<1x16xf32>,
    %swap3A_557 = vector.shape_cast %swap3A_556 : vector<1x16xf32> to vector<16xf32>
    %swap3A_558 = vector.shape_cast %broadcast_in_dim3A_552 : vector<16xf32> to vector<1x16xf32>
    tpu.vector_store %arg13[%swap3A_554, %swap3A_555], %swap3A_558 {strides = array<i32>} : memref<16x128xf32, #tpu.memory_space<vmem>>, vector<1x16xf32>,
    %broadcast_in_dim3A_559 = arith.constant 0.000000e+00 : f32
    %broadcast_in_dim3A_560 = vector.broadcast %broadcast_in_dim3A_559 : f32 to vector<16xf32>
    %swap3A_561 = arith.constant 8 : i32
    %swap3A_562 = arith.index_cast %swap3A_561 : i32 to index
    %swap3A_563 = arith.constant 96 : index
    %swap3A_564 = tpu.vector_load %arg13[%swap3A_562, %swap3A_563] {strides = array<i32>} : memref<16x128xf32, #tpu.memory_space<vmem>>, vector<1x16xf32>,
    %swap3A_565 = vector.shape_cast %swap3A_564 : vector<1x16xf32> to vector<16xf32>
    %swap3A_566 = vector.shape_cast %broadcast_in_dim3A_560 : vector<16xf32> to vector<1x16xf32>
    tpu.vector_store %arg13[%swap3A_562, %swap3A_563], %swap3A_566 {strides = array<i32>} : memref<16x128xf32, #tpu.memory_space<vmem>>, vector<1x16xf32>,
    %broadcast_in_dim3A_567 = arith.constant 0.000000e+00 : f32
    %broadcast_in_dim3A_568 = vector.broadcast %broadcast_in_dim3A_567 : f32 to vector<16xf32>
    %swap3A_569 = arith.constant 8 : i32
    %swap3A_570 = arith.index_cast %swap3A_569 : i32 to index
    %swap3A_571 = arith.constant 112 : index
    %swap3A_572 = tpu.vector_load %arg13[%swap3A_570, %swap3A_571] {strides = array<i32>} : memref<16x128xf32, #tpu.memory_space<vmem>>, vector<1x16xf32>,
    %swap3A_573 = vector.shape_cast %swap3A_572 : vector<1x16xf32> to vector<16xf32>
    %swap3A_574 = vector.shape_cast %broadcast_in_dim3A_568 : vector<16xf32> to vector<1x16xf32>
    tpu.vector_store %arg13[%swap3A_570, %swap3A_571], %swap3A_574 {strides = array<i32>} : memref<16x128xf32, #tpu.memory_space<vmem>>, vector<1x16xf32>,
    %broadcast_in_dim3A_575 = arith.constant 0.000000e+00 : f32
    %broadcast_in_dim3A_576 = vector.broadcast %broadcast_in_dim3A_575 : f32 to vector<16xf32>
    %swap3A_577 = arith.constant 9 : i32
    %swap3A_578 = arith.index_cast %swap3A_577 : i32 to index
    %swap3A_579 = arith.constant 0 : index
    %swap3A_580 = tpu.vector_load %arg13[%swap3A_578, %swap3A_579] {strides = array<i32>} : memref<16x128xf32, #tpu.memory_space<vmem>>, vector<1x16xf32>,
    %swap3A_581 = vector.shape_cast %swap3A_580 : vector<1x16xf32> to vector<16xf32>
    %swap3A_582 = vector.shape_cast %broadcast_in_dim3A_576 : vector<16xf32> to vector<1x16xf32>
    tpu.vector_store %arg13[%swap3A_578, %swap3A_579], %swap3A_582 {strides = array<i32>} : memref<16x128xf32, #tpu.memory_space<vmem>>, vector<1x16xf32>,
    %broadcast_in_dim3A_583 = arith.constant 0.000000e+00 : f32
    %broadcast_in_dim3A_584 = vector.broadcast %broadcast_in_dim3A_583 : f32 to vector<16xf32>
    %swap3A_585 = arith.constant 9 : i32
    %swap3A_586 = arith.index_cast %swap3A_585 : i32 to index
    %swap3A_587 = arith.constant 16 : index
    %swap3A_588 = tpu.vector_load %arg13[%swap3A_586, %swap3A_587] {strides = array<i32>} : memref<16x128xf32, #tpu.memory_space<vmem>>, vector<1x16xf32>,
    %swap3A_589 = vector.shape_cast %swap3A_588 : vector<1x16xf32> to vector<16xf32>
    %swap3A_590 = vector.shape_cast %broadcast_in_dim3A_584 : vector<16xf32> to vector<1x16xf32>
    tpu.vector_store %arg13[%swap3A_586, %swap3A_587], %swap3A_590 {strides = array<i32>} : memref<16x128xf32, #tpu.memory_space<vmem>>, vector<1x16xf32>,
    %broadcast_in_dim3A_591 = arith.constant 0.000000e+00 : f32
    %broadcast_in_dim3A_592 = vector.broadcast %broadcast_in_dim3A_591 : f32 to vector<16xf32>
    %swap3A_593 = arith.constant 9 : i32
    %swap3A_594 = arith.index_cast %swap3A_593 : i32 to index
    %swap3A_595 = arith.constant 32 : index
    %swap3A_596 = tpu.vector_load %arg13[%swap3A_594, %swap3A_595] {strides = array<i32>} : memref<16x128xf32, #tpu.memory_space<vmem>>, vector<1x16xf32>,
    %swap3A_597 = vector.shape_cast %swap3A_596 : vector<1x16xf32> to vector<16xf32>
    %swap3A_598 = vector.shape_cast %broadcast_in_dim3A_592 : vector<16xf32> to vector<1x16xf32>
    tpu.vector_store %arg13[%swap3A_594, %swap3A_595], %swap3A_598 {strides = array<i32>} : memref<16x128xf32, #tpu.memory_space<vmem>>, vector<1x16xf32>,
    %broadcast_in_dim3A_599 = arith.constant 0.000000e+00 : f32
    %broadcast_in_dim3A_600 = vector.broadcast %broadcast_in_dim3A_599 : f32 to vector<16xf32>
    %swap3A_601 = arith.constant 9 : i32
    %swap3A_602 = arith.index_cast %swap3A_601 : i32 to index
    %swap3A_603 = arith.constant 48 : index
    %swap3A_604 = tpu.vector_load %arg13[%swap3A_602, %swap3A_603] {strides = array<i32>} : memref<16x128xf32, #tpu.memory_space<vmem>>, vector<1x16xf32>,
    %swap3A_605 = vector.shape_cast %swap3A_604 : vector<1x16xf32> to vector<16xf32>
    %swap3A_606 = vector.shape_cast %broadcast_in_dim3A_600 : vector<16xf32> to vector<1x16xf32>
    tpu.vector_store %arg13[%swap3A_602, %swap3A_603], %swap3A_606 {strides = array<i32>} : memref<16x128xf32, #tpu.memory_space<vmem>>, vector<1x16xf32>,
    %broadcast_in_dim3A_607 = arith.constant 0.000000e+00 : f32
    %broadcast_in_dim3A_608 = vector.broadcast %broadcast_in_dim3A_607 : f32 to vector<16xf32>
    %swap3A_609 = arith.constant 9 : i32
    %swap3A_610 = arith.index_cast %swap3A_609 : i32 to index
    %swap3A_611 = arith.constant 64 : index
    %swap3A_612 = tpu.vector_load %arg13[%swap3A_610, %swap3A_611] {strides = array<i32>} : memref<16x128xf32, #tpu.memory_space<vmem>>, vector<1x16xf32>,
    %swap3A_613 = vector.shape_cast %swap3A_612 : vector<1x16xf32> to vector<16xf32>
    %swap3A_614 = vector.shape_cast %broadcast_in_dim3A_608 : vector<16xf32> to vector<1x16xf32>
    tpu.vector_store %arg13[%swap3A_610, %swap3A_611], %swap3A_614 {strides = array<i32>} : memref<16x128xf32, #tpu.memory_space<vmem>>, vector<1x16xf32>,
    %broadcast_in_dim3A_615 = arith.constant 0.000000e+00 : f32
    %broadcast_in_dim3A_616 = vector.broadcast %broadcast_in_dim3A_615 : f32 to vector<16xf32>
    %swap3A_617 = arith.constant 9 : i32
    %swap3A_618 = arith.index_cast %swap3A_617 : i32 to index
    %swap3A_619 = arith.constant 80 : index
    %swap3A_620 = tpu.vector_load %arg13[%swap3A_618, %swap3A_619] {strides = array<i32>} : memref<16x128xf32, #tpu.memory_space<vmem>>, vector<1x16xf32>,
    %swap3A_621 = vector.shape_cast %swap3A_620 : vector<1x16xf32> to vector<16xf32>
    %swap3A_622 = vector.shape_cast %broadcast_in_dim3A_616 : vector<16xf32> to vector<1x16xf32>
    tpu.vector_store %arg13[%swap3A_618, %swap3A_619], %swap3A_622 {strides = array<i32>} : memref<16x128xf32, #tpu.memory_space<vmem>>, vector<1x16xf32>,
    %broadcast_in_dim3A_623 = arith.constant 0.000000e+00 : f32
    %broadcast_in_dim3A_624 = vector.broadcast %broadcast_in_dim3A_623 : f32 to vector<16xf32>
    %swap3A_625 = arith.constant 9 : i32
    %swap3A_626 = arith.index_cast %swap3A_625 : i32 to index
    %swap3A_627 = arith.constant 96 : index
    %swap3A_628 = tpu.vector_load %arg13[%swap3A_626, %swap3A_627] {strides = array<i32>} : memref<16x128xf32, #tpu.memory_space<vmem>>, vector<1x16xf32>,
    %swap3A_629 = vector.shape_cast %swap3A_628 : vector<1x16xf32> to vector<16xf32>
    %swap3A_630 = vector.shape_cast %broadcast_in_dim3A_624 : vector<16xf32> to vector<1x16xf32>
    tpu.vector_store %arg13[%swap3A_626, %swap3A_627], %swap3A_630 {strides = array<i32>} : memref<16x128xf32, #tpu.memory_space<vmem>>, vector<1x16xf32>,
    %broadcast_in_dim3A_631 = arith.constant 0.000000e+00 : f32
    %broadcast_in_dim3A_632 = vector.broadcast %broadcast_in_dim3A_631 : f32 to vector<16xf32>
    %swap3A_633 = arith.constant 9 : i32
    %swap3A_634 = arith.index_cast %swap3A_633 : i32 to index
    %swap3A_635 = arith.constant 112 : index
    %swap3A_636 = tpu.vector_load %arg13[%swap3A_634, %swap3A_635] {strides = array<i32>} : memref<16x128xf32, #tpu.memory_space<vmem>>, vector<1x16xf32>,
    %swap3A_637 = vector.shape_cast %swap3A_636 : vector<1x16xf32> to vector<16xf32>
    %swap3A_638 = vector.shape_cast %broadcast_in_dim3A_632 : vector<16xf32> to vector<1x16xf32>
    tpu.vector_store %arg13[%swap3A_634, %swap3A_635], %swap3A_638 {strides = array<i32>} : memref<16x128xf32, #tpu.memory_space<vmem>>, vector<1x16xf32>,
    %broadcast_in_dim3A_639 = arith.constant 0.000000e+00 : f32
    %broadcast_in_dim3A_640 = vector.broadcast %broadcast_in_dim3A_639 : f32 to vector<16xf32>
    %swap3A_641 = arith.constant 10 : i32
    %swap3A_642 = arith.index_cast %swap3A_641 : i32 to index
    %swap3A_643 = arith.constant 0 : index
    %swap3A_644 = tpu.vector_load %arg13[%swap3A_642, %swap3A_643] {strides = array<i32>} : memref<16x128xf32, #tpu.memory_space<vmem>>, vector<1x16xf32>,
    %swap3A_645 = vector.shape_cast %swap3A_644 : vector<1x16xf32> to vector<16xf32>
    %swap3A_646 = vector.shape_cast %broadcast_in_dim3A_640 : vector<16xf32> to vector<1x16xf32>
    tpu.vector_store %arg13[%swap3A_642, %swap3A_643], %swap3A_646 {strides = array<i32>} : memref<16x128xf32, #tpu.memory_space<vmem>>, vector<1x16xf32>,
    %broadcast_in_dim3A_647 = arith.constant 0.000000e+00 : f32
    %broadcast_in_dim3A_648 = vector.broadcast %broadcast_in_dim3A_647 : f32 to vector<16xf32>
    %swap3A_649 = arith.constant 10 : i32
    %swap3A_650 = arith.index_cast %swap3A_649 : i32 to index
    %swap3A_651 = arith.constant 16 : index
    %swap3A_652 = tpu.vector_load %arg13[%swap3A_650, %swap3A_651] {strides = array<i32>} : memref<16x128xf32, #tpu.memory_space<vmem>>, vector<1x16xf32>,
    %swap3A_653 = vector.shape_cast %swap3A_652 : vector<1x16xf32> to vector<16xf32>
    %swap3A_654 = vector.shape_cast %broadcast_in_dim3A_648 : vector<16xf32> to vector<1x16xf32>
    tpu.vector_store %arg13[%swap3A_650, %swap3A_651], %swap3A_654 {strides = array<i32>} : memref<16x128xf32, #tpu.memory_space<vmem>>, vector<1x16xf32>,
    %broadcast_in_dim3A_655 = arith.constant 0.000000e+00 : f32
    %broadcast_in_dim3A_656 = vector.broadcast %broadcast_in_dim3A_655 : f32 to vector<16xf32>
    %swap3A_657 = arith.constant 10 : i32
    %swap3A_658 = arith.index_cast %swap3A_657 : i32 to index
    %swap3A_659 = arith.constant 32 : index
    %swap3A_660 = tpu.vector_load %arg13[%swap3A_658, %swap3A_659] {strides = array<i32>} : memref<16x128xf32, #tpu.memory_space<vmem>>, vector<1x16xf32>,
    %swap3A_661 = vector.shape_cast %swap3A_660 : vector<1x16xf32> to vector<16xf32>
    %swap3A_662 = vector.shape_cast %broadcast_in_dim3A_656 : vector<16xf32> to vector<1x16xf32>
    tpu.vector_store %arg13[%swap3A_658, %swap3A_659], %swap3A_662 {strides = array<i32>} : memref<16x128xf32, #tpu.memory_space<vmem>>, vector<1x16xf32>,
    %broadcast_in_dim3A_663 = arith.constant 0.000000e+00 : f32
    %broadcast_in_dim3A_664 = vector.broadcast %broadcast_in_dim3A_663 : f32 to vector<16xf32>
    %swap3A_665 = arith.constant 10 : i32
    %swap3A_666 = arith.index_cast %swap3A_665 : i32 to index
    %swap3A_667 = arith.constant 48 : index
    %swap3A_668 = tpu.vector_load %arg13[%swap3A_666, %swap3A_667] {strides = array<i32>} : memref<16x128xf32, #tpu.memory_space<vmem>>, vector<1x16xf32>,
    %swap3A_669 = vector.shape_cast %swap3A_668 : vector<1x16xf32> to vector<16xf32>
    %swap3A_670 = vector.shape_cast %broadcast_in_dim3A_664 : vector<16xf32> to vector<1x16xf32>
    tpu.vector_store %arg13[%swap3A_666, %swap3A_667], %swap3A_670 {strides = array<i32>} : memref<16x128xf32, #tpu.memory_space<vmem>>, vector<1x16xf32>,
    %broadcast_in_dim3A_671 = arith.constant 0.000000e+00 : f32
    %broadcast_in_dim3A_672 = vector.broadcast %broadcast_in_dim3A_671 : f32 to vector<16xf32>
    %swap3A_673 = arith.constant 10 : i32
    %swap3A_674 = arith.index_cast %swap3A_673 : i32 to index
    %swap3A_675 = arith.constant 64 : index
    %swap3A_676 = tpu.vector_load %arg13[%swap3A_674, %swap3A_675] {strides = array<i32>} : memref<16x128xf32, #tpu.memory_space<vmem>>, vector<1x16xf32>,
    %swap3A_677 = vector.shape_cast %swap3A_676 : vector<1x16xf32> to vector<16xf32>
    %swap3A_678 = vector.shape_cast %broadcast_in_dim3A_672 : vector<16xf32> to vector<1x16xf32>
    tpu.vector_store %arg13[%swap3A_674, %swap3A_675], %swap3A_678 {strides = array<i32>} : memref<16x128xf32, #tpu.memory_space<vmem>>, vector<1x16xf32>,
    %broadcast_in_dim3A_679 = arith.constant 0.000000e+00 : f32
    %broadcast_in_dim3A_680 = vector.broadcast %broadcast_in_dim3A_679 : f32 to vector<16xf32>
    %swap3A_681 = arith.constant 10 : i32
    %swap3A_682 = arith.index_cast %swap3A_681 : i32 to index
    %swap3A_683 = arith.constant 80 : index
    %swap3A_684 = tpu.vector_load %arg13[%swap3A_682, %swap3A_683] {strides = array<i32>} : memref<16x128xf32, #tpu.memory_space<vmem>>, vector<1x16xf32>,
    %swap3A_685 = vector.shape_cast %swap3A_684 : vector<1x16xf32> to vector<16xf32>
    %swap3A_686 = vector.shape_cast %broadcast_in_dim3A_680 : vector<16xf32> to vector<1x16xf32>
    tpu.vector_store %arg13[%swap3A_682, %swap3A_683], %swap3A_686 {strides = array<i32>} : memref<16x128xf32, #tpu.memory_space<vmem>>, vector<1x16xf32>,
    %broadcast_in_dim3A_687 = arith.constant 0.000000e+00 : f32
    %broadcast_in_dim3A_688 = vector.broadcast %broadcast_in_dim3A_687 : f32 to vector<16xf32>
    %swap3A_689 = arith.constant 10 : i32
    %swap3A_690 = arith.index_cast %swap3A_689 : i32 to index
    %swap3A_691 = arith.constant 96 : index
    %swap3A_692 = tpu.vector_load %arg13[%swap3A_690, %swap3A_691] {strides = array<i32>} : memref<16x128xf32, #tpu.memory_space<vmem>>, vector<1x16xf32>,
    %swap3A_693 = vector.shape_cast %swap3A_692 : vector<1x16xf32> to vector<16xf32>
    %swap3A_694 = vector.shape_cast %broadcast_in_dim3A_688 : vector<16xf32> to vector<1x16xf32>
    tpu.vector_store %arg13[%swap3A_690, %swap3A_691], %swap3A_694 {strides = array<i32>} : memref<16x128xf32, #tpu.memory_space<vmem>>, vector<1x16xf32>,
    %broadcast_in_dim3A_695 = arith.constant 0.000000e+00 : f32
    %broadcast_in_dim3A_696 = vector.broadcast %broadcast_in_dim3A_695 : f32 to vector<16xf32>
    %swap3A_697 = arith.constant 10 : i32
    %swap3A_698 = arith.index_cast %swap3A_697 : i32 to index
    %swap3A_699 = arith.constant 112 : index
    %swap3A_700 = tpu.vector_load %arg13[%swap3A_698, %swap3A_699] {strides = array<i32>} : memref<16x128xf32, #tpu.memory_space<vmem>>, vector<1x16xf32>,
    %swap3A_701 = vector.shape_cast %swap3A_700 : vector<1x16xf32> to vector<16xf32>
    %swap3A_702 = vector.shape_cast %broadcast_in_dim3A_696 : vector<16xf32> to vector<1x16xf32>
    tpu.vector_store %arg13[%swap3A_698, %swap3A_699], %swap3A_702 {strides = array<i32>} : memref<16x128xf32, #tpu.memory_space<vmem>>, vector<1x16xf32>,
    %broadcast_in_dim3A_703 = arith.constant 0.000000e+00 : f32
    %broadcast_in_dim3A_704 = vector.broadcast %broadcast_in_dim3A_703 : f32 to vector<16xf32>
    %swap3A_705 = arith.constant 11 : i32
    %swap3A_706 = arith.index_cast %swap3A_705 : i32 to index
    %swap3A_707 = arith.constant 0 : index
    %swap3A_708 = tpu.vector_load %arg13[%swap3A_706, %swap3A_707] {strides = array<i32>} : memref<16x128xf32, #tpu.memory_space<vmem>>, vector<1x16xf32>,
    %swap3A_709 = vector.shape_cast %swap3A_708 : vector<1x16xf32> to vector<16xf32>
    %swap3A_710 = vector.shape_cast %broadcast_in_dim3A_704 : vector<16xf32> to vector<1x16xf32>
    tpu.vector_store %arg13[%swap3A_706, %swap3A_707], %swap3A_710 {strides = array<i32>} : memref<16x128xf32, #tpu.memory_space<vmem>>, vector<1x16xf32>,
    %broadcast_in_dim3A_711 = arith.constant 0.000000e+00 : f32
    %broadcast_in_dim3A_712 = vector.broadcast %broadcast_in_dim3A_711 : f32 to vector<16xf32>
    %swap3A_713 = arith.constant 11 : i32
    %swap3A_714 = arith.index_cast %swap3A_713 : i32 to index
    %swap3A_715 = arith.constant 16 : index
    %swap3A_716 = tpu.vector_load %arg13[%swap3A_714, %swap3A_715] {strides = array<i32>} : memref<16x128xf32, #tpu.memory_space<vmem>>, vector<1x16xf32>,
    %swap3A_717 = vector.shape_cast %swap3A_716 : vector<1x16xf32> to vector<16xf32>
    %swap3A_718 = vector.shape_cast %broadcast_in_dim3A_712 : vector<16xf32> to vector<1x16xf32>
    tpu.vector_store %arg13[%swap3A_714, %swap3A_715], %swap3A_718 {strides = array<i32>} : memref<16x128xf32, #tpu.memory_space<vmem>>, vector<1x16xf32>,
    %broadcast_in_dim3A_719 = arith.constant 0.000000e+00 : f32
    %broadcast_in_dim3A_720 = vector.broadcast %broadcast_in_dim3A_719 : f32 to vector<16xf32>
    %swap3A_721 = arith.constant 11 : i32
    %swap3A_722 = arith.index_cast %swap3A_721 : i32 to index
    %swap3A_723 = arith.constant 32 : index
    %swap3A_724 = tpu.vector_load %arg13[%swap3A_722, %swap3A_723] {strides = array<i32>} : memref<16x128xf32, #tpu.memory_space<vmem>>, vector<1x16xf32>,
    %swap3A_725 = vector.shape_cast %swap3A_724 : vector<1x16xf32> to vector<16xf32>
    %swap3A_726 = vector.shape_cast %broadcast_in_dim3A_720 : vector<16xf32> to vector<1x16xf32>
    tpu.vector_store %arg13[%swap3A_722, %swap3A_723], %swap3A_726 {strides = array<i32>} : memref<16x128xf32, #tpu.memory_space<vmem>>, vector<1x16xf32>,
    %broadcast_in_dim3A_727 = arith.constant 0.000000e+00 : f32
    %broadcast_in_dim3A_728 = vector.broadcast %broadcast_in_dim3A_727 : f32 to vector<16xf32>
    %swap3A_729 = arith.constant 11 : i32
    %swap3A_730 = arith.index_cast %swap3A_729 : i32 to index
    %swap3A_731 = arith.constant 48 : index
    %swap3A_732 = tpu.vector_load %arg13[%swap3A_730, %swap3A_731] {strides = array<i32>} : memref<16x128xf32, #tpu.memory_space<vmem>>, vector<1x16xf32>,
    %swap3A_733 = vector.shape_cast %swap3A_732 : vector<1x16xf32> to vector<16xf32>
    %swap3A_734 = vector.shape_cast %broadcast_in_dim3A_728 : vector<16xf32> to vector<1x16xf32>
    tpu.vector_store %arg13[%swap3A_730, %swap3A_731], %swap3A_734 {strides = array<i32>} : memref<16x128xf32, #tpu.memory_space<vmem>>, vector<1x16xf32>,
    %broadcast_in_dim3A_735 = arith.constant 0.000000e+00 : f32
    %broadcast_in_dim3A_736 = vector.broadcast %broadcast_in_dim3A_735 : f32 to vector<16xf32>
    %swap3A_737 = arith.constant 11 : i32
    %swap3A_738 = arith.index_cast %swap3A_737 : i32 to index
    %swap3A_739 = arith.constant 64 : index
    %swap3A_740 = tpu.vector_load %arg13[%swap3A_738, %swap3A_739] {strides = array<i32>} : memref<16x128xf32, #tpu.memory_space<vmem>>, vector<1x16xf32>,
    %swap3A_741 = vector.shape_cast %swap3A_740 : vector<1x16xf32> to vector<16xf32>
    %swap3A_742 = vector.shape_cast %broadcast_in_dim3A_736 : vector<16xf32> to vector<1x16xf32>
    tpu.vector_store %arg13[%swap3A_738, %swap3A_739], %swap3A_742 {strides = array<i32>} : memref<16x128xf32, #tpu.memory_space<vmem>>, vector<1x16xf32>,
    %broadcast_in_dim3A_743 = arith.constant 0.000000e+00 : f32
    %broadcast_in_dim3A_744 = vector.broadcast %broadcast_in_dim3A_743 : f32 to vector<16xf32>
    %swap3A_745 = arith.constant 11 : i32
    %swap3A_746 = arith.index_cast %swap3A_745 : i32 to index
    %swap3A_747 = arith.constant 80 : index
    %swap3A_748 = tpu.vector_load %arg13[%swap3A_746, %swap3A_747] {strides = array<i32>} : memref<16x128xf32, #tpu.memory_space<vmem>>, vector<1x16xf32>,
    %swap3A_749 = vector.shape_cast %swap3A_748 : vector<1x16xf32> to vector<16xf32>
    %swap3A_750 = vector.shape_cast %broadcast_in_dim3A_744 : vector<16xf32> to vector<1x16xf32>
    tpu.vector_store %arg13[%swap3A_746, %swap3A_747], %swap3A_750 {strides = array<i32>} : memref<16x128xf32, #tpu.memory_space<vmem>>, vector<1x16xf32>,
    %broadcast_in_dim3A_751 = arith.constant 0.000000e+00 : f32
    %broadcast_in_dim3A_752 = vector.broadcast %broadcast_in_dim3A_751 : f32 to vector<16xf32>
    %swap3A_753 = arith.constant 11 : i32
    %swap3A_754 = arith.index_cast %swap3A_753 : i32 to index
    %swap3A_755 = arith.constant 96 : index
    %swap3A_756 = tpu.vector_load %arg13[%swap3A_754, %swap3A_755] {strides = array<i32>} : memref<16x128xf32, #tpu.memory_space<vmem>>, vector<1x16xf32>,
    %swap3A_757 = vector.shape_cast %swap3A_756 : vector<1x16xf32> to vector<16xf32>
    %swap3A_758 = vector.shape_cast %broadcast_in_dim3A_752 : vector<16xf32> to vector<1x16xf32>
    tpu.vector_store %arg13[%swap3A_754, %swap3A_755], %swap3A_758 {strides = array<i32>} : memref<16x128xf32, #tpu.memory_space<vmem>>, vector<1x16xf32>,
    %broadcast_in_dim3A_759 = arith.constant 0.000000e+00 : f32
    %broadcast_in_dim3A_760 = vector.broadcast %broadcast_in_dim3A_759 : f32 to vector<16xf32>
    %swap3A_761 = arith.constant 11 : i32
    %swap3A_762 = arith.index_cast %swap3A_761 : i32 to index
    %swap3A_763 = arith.constant 112 : index
    %swap3A_764 = tpu.vector_load %arg13[%swap3A_762, %swap3A_763] {strides = array<i32>} : memref<16x128xf32, #tpu.memory_space<vmem>>, vector<1x16xf32>,
    %swap3A_765 = vector.shape_cast %swap3A_764 : vector<1x16xf32> to vector<16xf32>
    %swap3A_766 = vector.shape_cast %broadcast_in_dim3A_760 : vector<16xf32> to vector<1x16xf32>
    tpu.vector_store %arg13[%swap3A_762, %swap3A_763], %swap3A_766 {strides = array<i32>} : memref<16x128xf32, #tpu.memory_space<vmem>>, vector<1x16xf32>,
    %broadcast_in_dim3A_767 = arith.constant 0.000000e+00 : f32
    %broadcast_in_dim3A_768 = vector.broadcast %broadcast_in_dim3A_767 : f32 to vector<16xf32>
    %swap3A_769 = arith.constant 12 : i32
    %swap3A_770 = arith.index_cast %swap3A_769 : i32 to index
    %swap3A_771 = arith.constant 0 : index
    %swap3A_772 = tpu.vector_load %arg13[%swap3A_770, %swap3A_771] {strides = array<i32>} : memref<16x128xf32, #tpu.memory_space<vmem>>, vector<1x16xf32>,
    %swap3A_773 = vector.shape_cast %swap3A_772 : vector<1x16xf32> to vector<16xf32>
    %swap3A_774 = vector.shape_cast %broadcast_in_dim3A_768 : vector<16xf32> to vector<1x16xf32>
    tpu.vector_store %arg13[%swap3A_770, %swap3A_771], %swap3A_774 {strides = array<i32>} : memref<16x128xf32, #tpu.memory_space<vmem>>, vector<1x16xf32>,
    %broadcast_in_dim3A_775 = arith.constant 0.000000e+00 : f32
    %broadcast_in_dim3A_776 = vector.broadcast %broadcast_in_dim3A_775 : f32 to vector<16xf32>
    %swap3A_777 = arith.constant 12 : i32
    %swap3A_778 = arith.index_cast %swap3A_777 : i32 to index
    %swap3A_779 = arith.constant 16 : index
    %swap3A_780 = tpu.vector_load %arg13[%swap3A_778, %swap3A_779] {strides = array<i32>} : memref<16x128xf32, #tpu.memory_space<vmem>>, vector<1x16xf32>,
    %swap3A_781 = vector.shape_cast %swap3A_780 : vector<1x16xf32> to vector<16xf32>
    %swap3A_782 = vector.shape_cast %broadcast_in_dim3A_776 : vector<16xf32> to vector<1x16xf32>
    tpu.vector_store %arg13[%swap3A_778, %swap3A_779], %swap3A_782 {strides = array<i32>} : memref<16x128xf32, #tpu.memory_space<vmem>>, vector<1x16xf32>,
    %broadcast_in_dim3A_783 = arith.constant 0.000000e+00 : f32
    %broadcast_in_dim3A_784 = vector.broadcast %broadcast_in_dim3A_783 : f32 to vector<16xf32>
    %swap3A_785 = arith.constant 12 : i32
    %swap3A_786 = arith.index_cast %swap3A_785 : i32 to index
    %swap3A_787 = arith.constant 32 : index
    %swap3A_788 = tpu.vector_load %arg13[%swap3A_786, %swap3A_787] {strides = array<i32>} : memref<16x128xf32, #tpu.memory_space<vmem>>, vector<1x16xf32>,
    %swap3A_789 = vector.shape_cast %swap3A_788 : vector<1x16xf32> to vector<16xf32>
    %swap3A_790 = vector.shape_cast %broadcast_in_dim3A_784 : vector<16xf32> to vector<1x16xf32>
    tpu.vector_store %arg13[%swap3A_786, %swap3A_787], %swap3A_790 {strides = array<i32>} : memref<16x128xf32, #tpu.memory_space<vmem>>, vector<1x16xf32>,
    %broadcast_in_dim3A_791 = arith.constant 0.000000e+00 : f32
    %broadcast_in_dim3A_792 = vector.broadcast %broadcast_in_dim3A_791 : f32 to vector<16xf32>
    %swap3A_793 = arith.constant 12 : i32
    %swap3A_794 = arith.index_cast %swap3A_793 : i32 to index
    %swap3A_795 = arith.constant 48 : index
    %swap3A_796 = tpu.vector_load %arg13[%swap3A_794, %swap3A_795] {strides = array<i32>} : memref<16x128xf32, #tpu.memory_space<vmem>>, vector<1x16xf32>,
    %swap3A_797 = vector.shape_cast %swap3A_796 : vector<1x16xf32> to vector<16xf32>
    %swap3A_798 = vector.shape_cast %broadcast_in_dim3A_792 : vector<16xf32> to vector<1x16xf32>
    tpu.vector_store %arg13[%swap3A_794, %swap3A_795], %swap3A_798 {strides = array<i32>} : memref<16x128xf32, #tpu.memory_space<vmem>>, vector<1x16xf32>,
    %broadcast_in_dim3A_799 = arith.constant 0.000000e+00 : f32
    %broadcast_in_dim3A_800 = vector.broadcast %broadcast_in_dim3A_799 : f32 to vector<16xf32>
    %swap3A_801 = arith.constant 12 : i32
    %swap3A_802 = arith.index_cast %swap3A_801 : i32 to index
    %swap3A_803 = arith.constant 64 : index
    %swap3A_804 = tpu.vector_load %arg13[%swap3A_802, %swap3A_803] {strides = array<i32>} : memref<16x128xf32, #tpu.memory_space<vmem>>, vector<1x16xf32>,
    %swap3A_805 = vector.shape_cast %swap3A_804 : vector<1x16xf32> to vector<16xf32>
    %swap3A_806 = vector.shape_cast %broadcast_in_dim3A_800 : vector<16xf32> to vector<1x16xf32>
    tpu.vector_store %arg13[%swap3A_802, %swap3A_803], %swap3A_806 {strides = array<i32>} : memref<16x128xf32, #tpu.memory_space<vmem>>, vector<1x16xf32>,
    %broadcast_in_dim3A_807 = arith.constant 0.000000e+00 : f32
    %broadcast_in_dim3A_808 = vector.broadcast %broadcast_in_dim3A_807 : f32 to vector<16xf32>
    %swap3A_809 = arith.constant 12 : i32
    %swap3A_810 = arith.index_cast %swap3A_809 : i32 to index
    %swap3A_811 = arith.constant 80 : index
    %swap3A_812 = tpu.vector_load %arg13[%swap3A_810, %swap3A_811] {strides = array<i32>} : memref<16x128xf32, #tpu.memory_space<vmem>>, vector<1x16xf32>,
    %swap3A_813 = vector.shape_cast %swap3A_812 : vector<1x16xf32> to vector<16xf32>
    %swap3A_814 = vector.shape_cast %broadcast_in_dim3A_808 : vector<16xf32> to vector<1x16xf32>
    tpu.vector_store %arg13[%swap3A_810, %swap3A_811], %swap3A_814 {strides = array<i32>} : memref<16x128xf32, #tpu.memory_space<vmem>>, vector<1x16xf32>,
    %broadcast_in_dim3A_815 = arith.constant 0.000000e+00 : f32
    %broadcast_in_dim3A_816 = vector.broadcast %broadcast_in_dim3A_815 : f32 to vector<16xf32>
    %swap3A_817 = arith.constant 12 : i32
    %swap3A_818 = arith.index_cast %swap3A_817 : i32 to index
    %swap3A_819 = arith.constant 96 : index
    %swap3A_820 = tpu.vector_load %arg13[%swap3A_818, %swap3A_819] {strides = array<i32>} : memref<16x128xf32, #tpu.memory_space<vmem>>, vector<1x16xf32>,
    %swap3A_821 = vector.shape_cast %swap3A_820 : vector<1x16xf32> to vector<16xf32>
    %swap3A_822 = vector.shape_cast %broadcast_in_dim3A_816 : vector<16xf32> to vector<1x16xf32>
    tpu.vector_store %arg13[%swap3A_818, %swap3A_819], %swap3A_822 {strides = array<i32>} : memref<16x128xf32, #tpu.memory_space<vmem>>, vector<1x16xf32>,
    %broadcast_in_dim3A_823 = arith.constant 0.000000e+00 : f32
    %broadcast_in_dim3A_824 = vector.broadcast %broadcast_in_dim3A_823 : f32 to vector<16xf32>
    %swap3A_825 = arith.constant 12 : i32
    %swap3A_826 = arith.index_cast %swap3A_825 : i32 to index
    %swap3A_827 = arith.constant 112 : index
    %swap3A_828 = tpu.vector_load %arg13[%swap3A_826, %swap3A_827] {strides = array<i32>} : memref<16x128xf32, #tpu.memory_space<vmem>>, vector<1x16xf32>,
    %swap3A_829 = vector.shape_cast %swap3A_828 : vector<1x16xf32> to vector<16xf32>
    %swap3A_830 = vector.shape_cast %broadcast_in_dim3A_824 : vector<16xf32> to vector<1x16xf32>
    tpu.vector_store %arg13[%swap3A_826, %swap3A_827], %swap3A_830 {strides = array<i32>} : memref<16x128xf32, #tpu.memory_space<vmem>>, vector<1x16xf32>,
    %broadcast_in_dim3A_831 = arith.constant 0.000000e+00 : f32
    %broadcast_in_dim3A_832 = vector.broadcast %broadcast_in_dim3A_831 : f32 to vector<16xf32>
    %swap3A_833 = arith.constant 13 : i32
    %swap3A_834 = arith.index_cast %swap3A_833 : i32 to index
    %swap3A_835 = arith.constant 0 : index
    %swap3A_836 = tpu.vector_load %arg13[%swap3A_834, %swap3A_835] {strides = array<i32>} : memref<16x128xf32, #tpu.memory_space<vmem>>, vector<1x16xf32>,
    %swap3A_837 = vector.shape_cast %swap3A_836 : vector<1x16xf32> to vector<16xf32>
    %swap3A_838 = vector.shape_cast %broadcast_in_dim3A_832 : vector<16xf32> to vector<1x16xf32>
    tpu.vector_store %arg13[%swap3A_834, %swap3A_835], %swap3A_838 {strides = array<i32>} : memref<16x128xf32, #tpu.memory_space<vmem>>, vector<1x16xf32>,
    %broadcast_in_dim3A_839 = arith.constant 0.000000e+00 : f32
    %broadcast_in_dim3A_840 = vector.broadcast %broadcast_in_dim3A_839 : f32 to vector<16xf32>
    %swap3A_841 = arith.constant 13 : i32
    %swap3A_842 = arith.index_cast %swap3A_841 : i32 to index
    %swap3A_843 = arith.constant 16 : index
    %swap3A_844 = tpu.vector_load %arg13[%swap3A_842, %swap3A_843] {strides = array<i32>} : memref<16x128xf32, #tpu.memory_space<vmem>>, vector<1x16xf32>,
    %swap3A_845 = vector.shape_cast %swap3A_844 : vector<1x16xf32> to vector<16xf32>
    %swap3A_846 = vector.shape_cast %broadcast_in_dim3A_840 : vector<16xf32> to vector<1x16xf32>
    tpu.vector_store %arg13[%swap3A_842, %swap3A_843], %swap3A_846 {strides = array<i32>} : memref<16x128xf32, #tpu.memory_space<vmem>>, vector<1x16xf32>,
    %broadcast_in_dim3A_847 = arith.constant 0.000000e+00 : f32
    %broadcast_in_dim3A_848 = vector.broadcast %broadcast_in_dim3A_847 : f32 to vector<16xf32>
    %swap3A_849 = arith.constant 13 : i32
    %swap3A_850 = arith.index_cast %swap3A_849 : i32 to index
    %swap3A_851 = arith.constant 32 : index
    %swap3A_852 = tpu.vector_load %arg13[%swap3A_850, %swap3A_851] {strides = array<i32>} : memref<16x128xf32, #tpu.memory_space<vmem>>, vector<1x16xf32>,
    %swap3A_853 = vector.shape_cast %swap3A_852 : vector<1x16xf32> to vector<16xf32>
    %swap3A_854 = vector.shape_cast %broadcast_in_dim3A_848 : vector<16xf32> to vector<1x16xf32>
    tpu.vector_store %arg13[%swap3A_850, %swap3A_851], %swap3A_854 {strides = array<i32>} : memref<16x128xf32, #tpu.memory_space<vmem>>, vector<1x16xf32>,
    %broadcast_in_dim3A_855 = arith.constant 0.000000e+00 : f32
    %broadcast_in_dim3A_856 = vector.broadcast %broadcast_in_dim3A_855 : f32 to vector<16xf32>
    %swap3A_857 = arith.constant 13 : i32
    %swap3A_858 = arith.index_cast %swap3A_857 : i32 to index
    %swap3A_859 = arith.constant 48 : index
    %swap3A_860 = tpu.vector_load %arg13[%swap3A_858, %swap3A_859] {strides = array<i32>} : memref<16x128xf32, #tpu.memory_space<vmem>>, vector<1x16xf32>,
    %swap3A_861 = vector.shape_cast %swap3A_860 : vector<1x16xf32> to vector<16xf32>
    %swap3A_862 = vector.shape_cast %broadcast_in_dim3A_856 : vector<16xf32> to vector<1x16xf32>
    tpu.vector_store %arg13[%swap3A_858, %swap3A_859], %swap3A_862 {strides = array<i32>} : memref<16x128xf32, #tpu.memory_space<vmem>>, vector<1x16xf32>,
    %broadcast_in_dim3A_863 = arith.constant 0.000000e+00 : f32
    %broadcast_in_dim3A_864 = vector.broadcast %broadcast_in_dim3A_863 : f32 to vector<16xf32>
    %swap3A_865 = arith.constant 13 : i32
    %swap3A_866 = arith.index_cast %swap3A_865 : i32 to index
    %swap3A_867 = arith.constant 64 : index
    %swap3A_868 = tpu.vector_load %arg13[%swap3A_866, %swap3A_867] {strides = array<i32>} : memref<16x128xf32, #tpu.memory_space<vmem>>, vector<1x16xf32>,
    %swap3A_869 = vector.shape_cast %swap3A_868 : vector<1x16xf32> to vector<16xf32>
    %swap3A_870 = vector.shape_cast %broadcast_in_dim3A_864 : vector<16xf32> to vector<1x16xf32>
    tpu.vector_store %arg13[%swap3A_866, %swap3A_867], %swap3A_870 {strides = array<i32>} : memref<16x128xf32, #tpu.memory_space<vmem>>, vector<1x16xf32>,
    %broadcast_in_dim3A_871 = arith.constant 0.000000e+00 : f32
    %broadcast_in_dim3A_872 = vector.broadcast %broadcast_in_dim3A_871 : f32 to vector<16xf32>
    %swap3A_873 = arith.constant 13 : i32
    %swap3A_874 = arith.index_cast %swap3A_873 : i32 to index
    %swap3A_875 = arith.constant 80 : index
    %swap3A_876 = tpu.vector_load %arg13[%swap3A_874, %swap3A_875] {strides = array<i32>} : memref<16x128xf32, #tpu.memory_space<vmem>>, vector<1x16xf32>,
    %swap3A_877 = vector.shape_cast %swap3A_876 : vector<1x16xf32> to vector<16xf32>
    %swap3A_878 = vector.shape_cast %broadcast_in_dim3A_872 : vector<16xf32> to vector<1x16xf32>
    tpu.vector_store %arg13[%swap3A_874, %swap3A_875], %swap3A_878 {strides = array<i32>} : memref<16x128xf32, #tpu.memory_space<vmem>>, vector<1x16xf32>,
    %broadcast_in_dim3A_879 = arith.constant 0.000000e+00 : f32
    %broadcast_in_dim3A_880 = vector.broadcast %broadcast_in_dim3A_879 : f32 to vector<16xf32>
    %swap3A_881 = arith.constant 13 : i32
    %swap3A_882 = arith.index_cast %swap3A_881 : i32 to index
    %swap3A_883 = arith.constant 96 : index
    %swap3A_884 = tpu.vector_load %arg13[%swap3A_882, %swap3A_883] {strides = array<i32>} : memref<16x128xf32, #tpu.memory_space<vmem>>, vector<1x16xf32>,
    %swap3A_885 = vector.shape_cast %swap3A_884 : vector<1x16xf32> to vector<16xf32>
    %swap3A_886 = vector.shape_cast %broadcast_in_dim3A_880 : vector<16xf32> to vector<1x16xf32>
    tpu.vector_store %arg13[%swap3A_882, %swap3A_883], %swap3A_886 {strides = array<i32>} : memref<16x128xf32, #tpu.memory_space<vmem>>, vector<1x16xf32>,
    %broadcast_in_dim3A_887 = arith.constant 0.000000e+00 : f32
    %broadcast_in_dim3A_888 = vector.broadcast %broadcast_in_dim3A_887 : f32 to vector<16xf32>
    %swap3A_889 = arith.constant 13 : i32
    %swap3A_890 = arith.index_cast %swap3A_889 : i32 to index
    %swap3A_891 = arith.constant 112 : index
    %swap3A_892 = tpu.vector_load %arg13[%swap3A_890, %swap3A_891] {strides = array<i32>} : memref<16x128xf32, #tpu.memory_space<vmem>>, vector<1x16xf32>,
    %swap3A_893 = vector.shape_cast %swap3A_892 : vector<1x16xf32> to vector<16xf32>
    %swap3A_894 = vector.shape_cast %broadcast_in_dim3A_888 : vector<16xf32> to vector<1x16xf32>
    tpu.vector_store %arg13[%swap3A_890, %swap3A_891], %swap3A_894 {strides = array<i32>} : memref<16x128xf32, #tpu.memory_space<vmem>>, vector<1x16xf32>,
    %broadcast_in_dim3A_895 = arith.constant 0.000000e+00 : f32
    %broadcast_in_dim3A_896 = vector.broadcast %broadcast_in_dim3A_895 : f32 to vector<16xf32>
    %swap3A_897 = arith.constant 14 : i32
    %swap3A_898 = arith.index_cast %swap3A_897 : i32 to index
    %swap3A_899 = arith.constant 0 : index
    %swap3A_900 = tpu.vector_load %arg13[%swap3A_898, %swap3A_899] {strides = array<i32>} : memref<16x128xf32, #tpu.memory_space<vmem>>, vector<1x16xf32>,
    %swap3A_901 = vector.shape_cast %swap3A_900 : vector<1x16xf32> to vector<16xf32>
    %swap3A_902 = vector.shape_cast %broadcast_in_dim3A_896 : vector<16xf32> to vector<1x16xf32>
    tpu.vector_store %arg13[%swap3A_898, %swap3A_899], %swap3A_902 {strides = array<i32>} : memref<16x128xf32, #tpu.memory_space<vmem>>, vector<1x16xf32>,
    %broadcast_in_dim3A_903 = arith.constant 0.000000e+00 : f32
    %broadcast_in_dim3A_904 = vector.broadcast %broadcast_in_dim3A_903 : f32 to vector<16xf32>
    %swap3A_905 = arith.constant 14 : i32
    %swap3A_906 = arith.index_cast %swap3A_905 : i32 to index
    %swap3A_907 = arith.constant 16 : index
    %swap3A_908 = tpu.vector_load %arg13[%swap3A_906, %swap3A_907] {strides = array<i32>} : memref<16x128xf32, #tpu.memory_space<vmem>>, vector<1x16xf32>,
    %swap3A_909 = vector.shape_cast %swap3A_908 : vector<1x16xf32> to vector<16xf32>
    %swap3A_910 = vector.shape_cast %broadcast_in_dim3A_904 : vector<16xf32> to vector<1x16xf32>
    tpu.vector_store %arg13[%swap3A_906, %swap3A_907], %swap3A_910 {strides = array<i32>} : memref<16x128xf32, #tpu.memory_space<vmem>>, vector<1x16xf32>,
    %broadcast_in_dim3A_911 = arith.constant 0.000000e+00 : f32
    %broadcast_in_dim3A_912 = vector.broadcast %broadcast_in_dim3A_911 : f32 to vector<16xf32>
    %swap3A_913 = arith.constant 14 : i32
    %swap3A_914 = arith.index_cast %swap3A_913 : i32 to index
    %swap3A_915 = arith.constant 32 : index
    %swap3A_916 = tpu.vector_load %arg13[%swap3A_914, %swap3A_915] {strides = array<i32>} : memref<16x128xf32, #tpu.memory_space<vmem>>, vector<1x16xf32>,
    %swap3A_917 = vector.shape_cast %swap3A_916 : vector<1x16xf32> to vector<16xf32>
    %swap3A_918 = vector.shape_cast %broadcast_in_dim3A_912 : vector<16xf32> to vector<1x16xf32>
    tpu.vector_store %arg13[%swap3A_914, %swap3A_915], %swap3A_918 {strides = array<i32>} : memref<16x128xf32, #tpu.memory_space<vmem>>, vector<1x16xf32>,
    %broadcast_in_dim3A_919 = arith.constant 0.000000e+00 : f32
    %broadcast_in_dim3A_920 = vector.broadcast %broadcast_in_dim3A_919 : f32 to vector<16xf32>
    %swap3A_921 = arith.constant 14 : i32
    %swap3A_922 = arith.index_cast %swap3A_921 : i32 to index
    %swap3A_923 = arith.constant 48 : index
    %swap3A_924 = tpu.vector_load %arg13[%swap3A_922, %swap3A_923] {strides = array<i32>} : memref<16x128xf32, #tpu.memory_space<vmem>>, vector<1x16xf32>,
    %swap3A_925 = vector.shape_cast %swap3A_924 : vector<1x16xf32> to vector<16xf32>
    %swap3A_926 = vector.shape_cast %broadcast_in_dim3A_920 : vector<16xf32> to vector<1x16xf32>
    tpu.vector_store %arg13[%swap3A_922, %swap3A_923], %swap3A_926 {strides = array<i32>} : memref<16x128xf32, #tpu.memory_space<vmem>>, vector<1x16xf32>,
    %broadcast_in_dim3A_927 = arith.constant 0.000000e+00 : f32
    %broadcast_in_dim3A_928 = vector.broadcast %broadcast_in_dim3A_927 : f32 to vector<16xf32>
    %swap3A_929 = arith.constant 14 : i32
    %swap3A_930 = arith.index_cast %swap3A_929 : i32 to index
    %swap3A_931 = arith.constant 64 : index
    %swap3A_932 = tpu.vector_load %arg13[%swap3A_930, %swap3A_931] {strides = array<i32>} : memref<16x128xf32, #tpu.memory_space<vmem>>, vector<1x16xf32>,
    %swap3A_933 = vector.shape_cast %swap3A_932 : vector<1x16xf32> to vector<16xf32>
    %swap3A_934 = vector.shape_cast %broadcast_in_dim3A_928 : vector<16xf32> to vector<1x16xf32>
    tpu.vector_store %arg13[%swap3A_930, %swap3A_931], %swap3A_934 {strides = array<i32>} : memref<16x128xf32, #tpu.memory_space<vmem>>, vector<1x16xf32>,
    %broadcast_in_dim3A_935 = arith.constant 0.000000e+00 : f32
    %broadcast_in_dim3A_936 = vector.broadcast %broadcast_in_dim3A_935 : f32 to vector<16xf32>
    %swap3A_937 = arith.constant 14 : i32
    %swap3A_938 = arith.index_cast %swap3A_937 : i32 to index
    %swap3A_939 = arith.constant 80 : index
    %swap3A_940 = tpu.vector_load %arg13[%swap3A_938, %swap3A_939] {strides = array<i32>} : memref<16x128xf32, #tpu.memory_space<vmem>>, vector<1x16xf32>,
    %swap3A_941 = vector.shape_cast %swap3A_940 : vector<1x16xf32> to vector<16xf32>
    %swap3A_942 = vector.shape_cast %broadcast_in_dim3A_936 : vector<16xf32> to vector<1x16xf32>
    tpu.vector_store %arg13[%swap3A_938, %swap3A_939], %swap3A_942 {strides = array<i32>} : memref<16x128xf32, #tpu.memory_space<vmem>>, vector<1x16xf32>,
    %broadcast_in_dim3A_943 = arith.constant 0.000000e+00 : f32
    %broadcast_in_dim3A_944 = vector.broadcast %broadcast_in_dim3A_943 : f32 to vector<16xf32>
    %swap3A_945 = arith.constant 14 : i32
    %swap3A_946 = arith.index_cast %swap3A_945 : i32 to index
    %swap3A_947 = arith.constant 96 : index
    %swap3A_948 = tpu.vector_load %arg13[%swap3A_946, %swap3A_947] {strides = array<i32>} : memref<16x128xf32, #tpu.memory_space<vmem>>, vector<1x16xf32>,
    %swap3A_949 = vector.shape_cast %swap3A_948 : vector<1x16xf32> to vector<16xf32>
    %swap3A_950 = vector.shape_cast %broadcast_in_dim3A_944 : vector<16xf32> to vector<1x16xf32>
    tpu.vector_store %arg13[%swap3A_946, %swap3A_947], %swap3A_950 {strides = array<i32>} : memref<16x128xf32, #tpu.memory_space<vmem>>, vector<1x16xf32>,
    %broadcast_in_dim3A_951 = arith.constant 0.000000e+00 : f32
    %broadcast_in_dim3A_952 = vector.broadcast %broadcast_in_dim3A_951 : f32 to vector<16xf32>
    %swap3A_953 = arith.constant 14 : i32
    %swap3A_954 = arith.index_cast %swap3A_953 : i32 to index
    %swap3A_955 = arith.constant 112 : index
    %swap3A_956 = tpu.vector_load %arg13[%swap3A_954, %swap3A_955] {strides = array<i32>} : memref<16x128xf32, #tpu.memory_space<vmem>>, vector<1x16xf32>,
    %swap3A_957 = vector.shape_cast %swap3A_956 : vector<1x16xf32> to vector<16xf32>
    %swap3A_958 = vector.shape_cast %broadcast_in_dim3A_952 : vector<16xf32> to vector<1x16xf32>
    tpu.vector_store %arg13[%swap3A_954, %swap3A_955], %swap3A_958 {strides = array<i32>} : memref<16x128xf32, #tpu.memory_space<vmem>>, vector<1x16xf32>,
    %broadcast_in_dim3A_959 = arith.constant 0.000000e+00 : f32
    %broadcast_in_dim3A_960 = vector.broadcast %broadcast_in_dim3A_959 : f32 to vector<16xf32>
    %swap3A_961 = arith.constant 15 : i32
    %swap3A_962 = arith.index_cast %swap3A_961 : i32 to index
    %swap3A_963 = arith.constant 0 : index
    %swap3A_964 = tpu.vector_load %arg13[%swap3A_962, %swap3A_963] {strides = array<i32>} : memref<16x128xf32, #tpu.memory_space<vmem>>, vector<1x16xf32>,
    %swap3A_965 = vector.shape_cast %swap3A_964 : vector<1x16xf32> to vector<16xf32>
    %swap3A_966 = vector.shape_cast %broadcast_in_dim3A_960 : vector<16xf32> to vector<1x16xf32>
    tpu.vector_store %arg13[%swap3A_962, %swap3A_963], %swap3A_966 {strides = array<i32>} : memref<16x128xf32, #tpu.memory_space<vmem>>, vector<1x16xf32>,
    %broadcast_in_dim3A_967 = arith.constant 0.000000e+00 : f32
    %broadcast_in_dim3A_968 = vector.broadcast %broadcast_in_dim3A_967 : f32 to vector<16xf32>
    %swap3A_969 = arith.constant 15 : i32
    %swap3A_970 = arith.index_cast %swap3A_969 : i32 to index
    %swap3A_971 = arith.constant 16 : index
    %swap3A_972 = tpu.vector_load %arg13[%swap3A_970, %swap3A_971] {strides = array<i32>} : memref<16x128xf32, #tpu.memory_space<vmem>>, vector<1x16xf32>,
    %swap3A_973 = vector.shape_cast %swap3A_972 : vector<1x16xf32> to vector<16xf32>
    %swap3A_974 = vector.shape_cast %broadcast_in_dim3A_968 : vector<16xf32> to vector<1x16xf32>
    tpu.vector_store %arg13[%swap3A_970, %swap3A_971], %swap3A_974 {strides = array<i32>} : memref<16x128xf32, #tpu.memory_space<vmem>>, vector<1x16xf32>,
    %broadcast_in_dim3A_975 = arith.constant 0.000000e+00 : f32
    %broadcast_in_dim3A_976 = vector.broadcast %broadcast_in_dim3A_975 : f32 to vector<16xf32>
    %swap3A_977 = arith.constant 15 : i32
    %swap3A_978 = arith.index_cast %swap3A_977 : i32 to index
    %swap3A_979 = arith.constant 32 : index
    %swap3A_980 = tpu.vector_load %arg13[%swap3A_978, %swap3A_979] {strides = array<i32>} : memref<16x128xf32, #tpu.memory_space<vmem>>, vector<1x16xf32>,
    %swap3A_981 = vector.shape_cast %swap3A_980 : vector<1x16xf32> to vector<16xf32>
    %swap3A_982 = vector.shape_cast %broadcast_in_dim3A_976 : vector<16xf32> to vector<1x16xf32>
    tpu.vector_store %arg13[%swap3A_978, %swap3A_979], %swap3A_982 {strides = array<i32>} : memref<16x128xf32, #tpu.memory_space<vmem>>, vector<1x16xf32>,
    %broadcast_in_dim3A_983 = arith.constant 0.000000e+00 : f32
    %broadcast_in_dim3A_984 = vector.broadcast %broadcast_in_dim3A_983 : f32 to vector<16xf32>
    %swap3A_985 = arith.constant 15 : i32
    %swap3A_986 = arith.index_cast %swap3A_985 : i32 to index
    %swap3A_987 = arith.constant 48 : index
    %swap3A_988 = tpu.vector_load %arg13[%swap3A_986, %swap3A_987] {strides = array<i32>} : memref<16x128xf32, #tpu.memory_space<vmem>>, vector<1x16xf32>,
    %swap3A_989 = vector.shape_cast %swap3A_988 : vector<1x16xf32> to vector<16xf32>
    %swap3A_990 = vector.shape_cast %broadcast_in_dim3A_984 : vector<16xf32> to vector<1x16xf32>
    tpu.vector_store %arg13[%swap3A_986, %swap3A_987], %swap3A_990 {strides = array<i32>} : memref<16x128xf32, #tpu.memory_space<vmem>>, vector<1x16xf32>,
    %broadcast_in_dim3A_991 = arith.constant 0.000000e+00 : f32
    %broadcast_in_dim3A_992 = vector.broadcast %broadcast_in_dim3A_991 : f32 to vector<16xf32>
    %swap3A_993 = arith.constant 15 : i32
    %swap3A_994 = arith.index_cast %swap3A_993 : i32 to index
    %swap3A_995 = arith.constant 64 : index
    %swap3A_996 = tpu.vector_load %arg13[%swap3A_994, %swap3A_995] {strides = array<i32>} : memref<16x128xf32, #tpu.memory_space<vmem>>, vector<1x16xf32>,
    %swap3A_997 = vector.shape_cast %swap3A_996 : vector<1x16xf32> to vector<16xf32>
    %swap3A_998 = vector.shape_cast %broadcast_in_dim3A_992 : vector<16xf32> to vector<1x16xf32>
    tpu.vector_store %arg13[%swap3A_994, %swap3A_995], %swap3A_998 {strides = array<i32>} : memref<16x128xf32, #tpu.memory_space<vmem>>, vector<1x16xf32>,
    %broadcast_in_dim3A_999 = arith.constant 0.000000e+00 : f32
    %broadcast_in_dim3A_1000 = vector.broadcast %broadcast_in_dim3A_999 : f32 to vector<16xf32>
    %swap3A_1001 = arith.constant 15 : i32
    %swap3A_1002 = arith.index_cast %swap3A_1001 : i32 to index
    %swap3A_1003 = arith.constant 80 : index
    %swap3A_1004 = tpu.vector_load %arg13[%swap3A_1002, %swap3A_1003] {strides = array<i32>} : memref<16x128xf32, #tpu.memory_space<vmem>>, vector<1x16xf32>,
    %swap3A_1005 = vector.shape_cast %swap3A_1004 : vector<1x16xf32> to vector<16xf32>
    %swap3A_1006 = vector.shape_cast %broadcast_in_dim3A_1000 : vector<16xf32> to vector<1x16xf32>
    tpu.vector_store %arg13[%swap3A_1002, %swap3A_1003], %swap3A_1006 {strides = array<i32>} : memref<16x128xf32, #tpu.memory_space<vmem>>, vector<1x16xf32>,
    %broadcast_in_dim3A_1007 = arith.constant 0.000000e+00 : f32
    %broadcast_in_dim3A_1008 = vector.broadcast %broadcast_in_dim3A_1007 : f32 to vector<16xf32>
    %swap3A_1009 = arith.constant 15 : i32
    %swap3A_1010 = arith.index_cast %swap3A_1009 : i32 to index
    %swap3A_1011 = arith.constant 96 : index
    %swap3A_1012 = tpu.vector_load %arg13[%swap3A_1010, %swap3A_1011] {strides = array<i32>} : memref<16x128xf32, #tpu.memory_space<vmem>>, vector<1x16xf32>,
    %swap3A_1013 = vector.shape_cast %swap3A_1012 : vector<1x16xf32> to vector<16xf32>
    %swap3A_1014 = vector.shape_cast %broadcast_in_dim3A_1008 : vector<16xf32> to vector<1x16xf32>
    tpu.vector_store %arg13[%swap3A_1010, %swap3A_1011], %swap3A_1014 {strides = array<i32>} : memref<16x128xf32, #tpu.memory_space<vmem>>, vector<1x16xf32>,
    %broadcast_in_dim3A_1015 = arith.constant 0.000000e+00 : f32
    %broadcast_in_dim3A_1016 = vector.broadcast %broadcast_in_dim3A_1015 : f32 to vector<16xf32>
    %swap3A_1017 = arith.constant 15 : i32
    %swap3A_1018 = arith.index_cast %swap3A_1017 : i32 to index
    %swap3A_1019 = arith.constant 112 : index
    %swap3A_1020 = tpu.vector_load %arg13[%swap3A_1018, %swap3A_1019] {strides = array<i32>} : memref<16x128xf32, #tpu.memory_space<vmem>>, vector<1x16xf32>,
    %swap3A_1021 = vector.shape_cast %swap3A_1020 : vector<1x16xf32> to vector<16xf32>
    %swap3A_1022 = vector.shape_cast %broadcast_in_dim3A_1016 : vector<16xf32> to vector<1x16xf32>
    tpu.vector_store %arg13[%swap3A_1018, %swap3A_1019], %swap3A_1022 {strides = array<i32>} : memref<16x128xf32, #tpu.memory_space<vmem>>, vector<1x16xf32>,
    %scan3A = arith.constant 0 : i32
    %scan3A_1023 = arith.constant 40 : i32
    %scan3A_1024 = arith.addi %scan3A, %scan3A_1023 : i32
    %scan3A_1025 = arith.constant 1 : i32
    scf.for %scan3A_1046 = %scan3A to %scan3A_1024 step %scan3A_1025  : i32 {
      %mul3A_1047 = arith.constant 640 : i32
      %mul3A_1048 = arith.muli %arg1, %mul3A_1047 : i32
      %mul3A_1049 = arith.constant 16 : i32
      %mul3A_1050 = arith.muli %scan3A_1046, %mul3A_1049 : i32
      %add3A_1051 = arith.addi %mul3A_1048, %mul3A_1050 : i32
      "tpu.region"() ({
        %run_scoped3A = tpu.sem_alloc : memref<!tpu.dma_semaphore, #tpu.memory_space<semaphore_mem>>
        %dma_start3A_1052 = arith.constant 0 : i32
        %dma_start3A_1053 = tpu.memref_slice %arg14[%add3A_1051, %dma_start3A_1052] : memref<10240x128xf32, #tpu.memory_space<vmem_shared>> -> memref<16x128xf32, #tpu.memory_space<vmem_shared>>
        %dma_start3A_1054 = arith.constant 0 : i32
        %dma_start3A_1055 = tpu.memref_slice %arg14[%add3A_1051, %dma_start3A_1054] : memref<10240x128xf32, #tpu.memory_space<vmem_shared>> -> memref<16x128xf32, #tpu.memory_space<vmem_shared>>
        tpu.enqueue_dma source(%arg13 : memref<16x128xf32, #tpu.memory_space<vmem>>) target(%dma_start3A_1055 : memref<16x128xf32, #tpu.memory_space<vmem_shared>>) target_semaphore(%run_scoped3A : memref<!tpu.dma_semaphore, #tpu.memory_space<semaphore_mem>>)
        %dma_wait3A = arith.constant 0 : i32
        %dma_wait3A_1056 = tpu.memref_slice %arg14[%add3A_1051, %dma_wait3A] : memref<10240x128xf32, #tpu.memory_space<vmem_shared>> -> memref<16x128xf32, #tpu.memory_space<vmem_shared>>
        %dma_wait3A_1057 = arith.constant 0 : i32
        %dma_wait3A_1058 = tpu.memref_slice %arg14[%add3A_1051, %dma_wait3A_1057] : memref<10240x128xf32, #tpu.memory_space<vmem_shared>> -> memref<16x128xf32, #tpu.memory_space<vmem_shared>>
        tpu.wait_dma2 semaphore(%run_scoped3A : memref<!tpu.dma_semaphore, #tpu.memory_space<semaphore_mem>>) src(%arg13 : memref<16x128xf32, #tpu.memory_space<vmem>>) dst(%dma_wait3A_1058 : memref<16x128xf32, #tpu.memory_space<vmem_shared>>)
        tpu.yield
      }) : () -> ()
    }
    %scan3A_1026 = arith.constant 40 : i32
    "tpu.region"() ({
      %run_scoped3A = tpu.sem_alloc : memref<!tpu.dma_semaphore, #tpu.memory_space<semaphore_mem>>
      %dma_start3A_1046 = arith.constant 0 : i32
      %dma_start3A_1047 = arith.constant 0 : i32
      %dma_start3A_1048 = tpu.memref_slice %arg5[%add3A, %dma_start3A_1046, %dma_start3A_1047] : memref<32x40x128xi32, #tpu.memory_space<hbm>> -> memref<1x40x128xi32, #tpu.memory_space<hbm>>
      %dma_start3A_1049 = tpu.memref_squeeze %dma_start3A_1048 : memref<1x40x128xi32, #tpu.memory_space<hbm>> -> memref<40x128xi32, #tpu.memory_space<hbm>>
      %dma_start3A_1050 = arith.constant 0 : i32
      %dma_start3A_1051 = arith.constant 0 : i32
      %dma_start3A_1052 = tpu.memref_slice %arg5[%add3A, %dma_start3A_1050, %dma_start3A_1051] : memref<32x40x128xi32, #tpu.memory_space<hbm>> -> memref<1x40x128xi32, #tpu.memory_space<hbm>>
      %dma_start3A_1053 = tpu.memref_squeeze %dma_start3A_1052 : memref<1x40x128xi32, #tpu.memory_space<hbm>> -> memref<40x128xi32, #tpu.memory_space<hbm>>
      tpu.enqueue_dma source(%dma_start3A_1053 : memref<40x128xi32, #tpu.memory_space<hbm>>) target(%arg10 : memref<40x128xi32, #tpu.memory_space<vmem>>) target_semaphore(%run_scoped3A : memref<!tpu.dma_semaphore, #tpu.memory_space<semaphore_mem>>)
      %dma_wait3A = arith.constant 0 : i32
      %dma_wait3A_1054 = arith.constant 0 : i32
      %dma_wait3A_1055 = tpu.memref_slice %arg5[%add3A, %dma_wait3A, %dma_wait3A_1054] : memref<32x40x128xi32, #tpu.memory_space<hbm>> -> memref<1x40x128xi32, #tpu.memory_space<hbm>>
      %dma_wait3A_1056 = tpu.memref_squeeze %dma_wait3A_1055 : memref<1x40x128xi32, #tpu.memory_space<hbm>> -> memref<40x128xi32, #tpu.memory_space<hbm>>
      %dma_wait3A_1057 = arith.constant 0 : i32
      %dma_wait3A_1058 = arith.constant 0 : i32
      %dma_wait3A_1059 = tpu.memref_slice %arg5[%add3A, %dma_wait3A_1057, %dma_wait3A_1058] : memref<32x40x128xi32, #tpu.memory_space<hbm>> -> memref<1x40x128xi32, #tpu.memory_space<hbm>>
      %dma_wait3A_1060 = tpu.memref_squeeze %dma_wait3A_1059 : memref<1x40x128xi32, #tpu.memory_space<hbm>> -> memref<40x128xi32, #tpu.memory_space<hbm>>
      tpu.wait_dma2 semaphore(%run_scoped3A : memref<!tpu.dma_semaphore, #tpu.memory_space<semaphore_mem>>) src(%dma_wait3A_1060 : memref<40x128xi32, #tpu.memory_space<hbm>>) dst(%arg10 : memref<40x128xi32, #tpu.memory_space<vmem>>)
      tpu.yield
    }) : () -> ()
    %scan3A_1027 = arith.constant 0 : i32
    %scan3A_1028 = arith.constant 4 : i32
    %scan3A_1029 = arith.addi %scan3A_1027, %scan3A_1028 : i32
    %scan3A_1030 = arith.constant 1 : i32
    scf.for %scan3A_1046 = %scan3A_1027 to %scan3A_1029 step %scan3A_1030  : i32 {
      %mul3A_1047 = arith.constant 1280 : i32
      %mul3A_1048 = arith.muli %scan3A_1046, %mul3A_1047 : i32
      "tpu.region"() ({
        %run_scoped3A = tpu.sem_alloc : memref<!tpu.dma_semaphore, #tpu.memory_space<semaphore_mem>>
        %dma_start3A_1056 = tpu.memref_slice %arg3[%add3A, %mul3A_1048] : memref<32x5120xi32, #tpu.memory_space<hbm>> -> memref<1x1280xi32, #tpu.memory_space<hbm>>
        %dma_start3A_1057 = tpu.memref_squeeze %dma_start3A_1056 : memref<1x1280xi32, #tpu.memory_space<hbm>> -> memref<1280xi32, #tpu.memory_space<hbm>>
        %dma_start3A_1058 = tpu.memref_slice %arg3[%add3A, %mul3A_1048] : memref<32x5120xi32, #tpu.memory_space<hbm>> -> memref<1x1280xi32, #tpu.memory_space<hbm>>
        %dma_start3A_1059 = tpu.memref_squeeze %dma_start3A_1058 : memref<1x1280xi32, #tpu.memory_space<hbm>> -> memref<1280xi32, #tpu.memory_space<hbm>>
        tpu.enqueue_dma source(%dma_start3A_1059 : memref<1280xi32, #tpu.memory_space<hbm>>) target(%arg7 : memref<1280xi32, #tpu.memory_space<vmem>>) target_semaphore(%run_scoped3A : memref<!tpu.dma_semaphore, #tpu.memory_space<semaphore_mem>>)
        %dma_wait3A = tpu.memref_slice %arg3[%add3A, %mul3A_1048] : memref<32x5120xi32, #tpu.memory_space<hbm>> -> memref<1x1280xi32, #tpu.memory_space<hbm>>
        %dma_wait3A_1060 = tpu.memref_squeeze %dma_wait3A : memref<1x1280xi32, #tpu.memory_space<hbm>> -> memref<1280xi32, #tpu.memory_space<hbm>>
        %dma_wait3A_1061 = tpu.memref_slice %arg3[%add3A, %mul3A_1048] : memref<32x5120xi32, #tpu.memory_space<hbm>> -> memref<1x1280xi32, #tpu.memory_space<hbm>>
        %dma_wait3A_1062 = tpu.memref_squeeze %dma_wait3A_1061 : memref<1x1280xi32, #tpu.memory_space<hbm>> -> memref<1280xi32, #tpu.memory_space<hbm>>
        tpu.wait_dma2 semaphore(%run_scoped3A : memref<!tpu.dma_semaphore, #tpu.memory_space<semaphore_mem>>) src(%dma_wait3A_1062 : memref<1280xi32, #tpu.memory_space<hbm>>) dst(%arg7 : memref<1280xi32, #tpu.memory_space<vmem>>)
        tpu.yield
      }) : () -> ()
      %mul3A_1049 = arith.constant 1280 : i32
      %mul3A_1050 = arith.muli %scan3A_1046, %mul3A_1049 : i32
      "tpu.region"() ({
        %run_scoped3A = tpu.sem_alloc : memref<!tpu.dma_semaphore, #tpu.memory_space<semaphore_mem>>
        %dma_start3A_1056 = tpu.memref_slice %arg4[%add3A, %mul3A_1050] : memref<32x5120xi32, #tpu.memory_space<hbm>> -> memref<1x1280xi32, #tpu.memory_space<hbm>>
        %dma_start3A_1057 = tpu.memref_squeeze %dma_start3A_1056 : memref<1x1280xi32, #tpu.memory_space<hbm>> -> memref<1280xi32, #tpu.memory_space<hbm>>
        %dma_start3A_1058 = tpu.memref_slice %arg4[%add3A, %mul3A_1050] : memref<32x5120xi32, #tpu.memory_space<hbm>> -> memref<1x1280xi32, #tpu.memory_space<hbm>>
        %dma_start3A_1059 = tpu.memref_squeeze %dma_start3A_1058 : memref<1x1280xi32, #tpu.memory_space<hbm>> -> memref<1280xi32, #tpu.memory_space<hbm>>
        tpu.enqueue_dma source(%dma_start3A_1059 : memref<1280xi32, #tpu.memory_space<hbm>>) target(%arg8 : memref<1280xi32, #tpu.memory_space<vmem>>) target_semaphore(%run_scoped3A : memref<!tpu.dma_semaphore, #tpu.memory_space<semaphore_mem>>)
        %dma_wait3A = tpu.memref_slice %arg4[%add3A, %mul3A_1050] : memref<32x5120xi32, #tpu.memory_space<hbm>> -> memref<1x1280xi32, #tpu.memory_space<hbm>>
        %dma_wait3A_1060 = tpu.memref_squeeze %dma_wait3A : memref<1x1280xi32, #tpu.memory_space<hbm>> -> memref<1280xi32, #tpu.memory_space<hbm>>
        %dma_wait3A_1061 = tpu.memref_slice %arg4[%add3A, %mul3A_1050] : memref<32x5120xi32, #tpu.memory_space<hbm>> -> memref<1x1280xi32, #tpu.memory_space<hbm>>
        %dma_wait3A_1062 = tpu.memref_squeeze %dma_wait3A_1061 : memref<1x1280xi32, #tpu.memory_space<hbm>> -> memref<1280xi32, #tpu.memory_space<hbm>>
        tpu.wait_dma2 semaphore(%run_scoped3A : memref<!tpu.dma_semaphore, #tpu.memory_space<semaphore_mem>>) src(%dma_wait3A_1062 : memref<1280xi32, #tpu.memory_space<hbm>>) dst(%arg8 : memref<1280xi32, #tpu.memory_space<vmem>>)
        tpu.yield
      }) : () -> ()
      %scan3A_1051 = arith.constant 0 : i32
      %scan3A_1052 = arith.constant 80 : i32
      %scan3A_1053 = arith.addi %scan3A_1051, %scan3A_1052 : i32
      %scan3A_1054 = arith.constant 1 : i32
      scf.for %scan3A_1056 = %scan3A_1051 to %scan3A_1053 step %scan3A_1054  : i32 {
        %mul3A_1057 = arith.constant 16 : i32
        %mul3A_1058 = arith.muli %scan3A_1056, %mul3A_1057 : i32
        %get3A = arith.index_cast %mul3A_1058 : i32 to index
        %get3A_1059 = tpu.vector_load %arg7[%get3A] {strides = array<i32>} : memref<1280xi32, #tpu.memory_space<vmem>>, vector<16xi32>,
        %get3A_1060 = vector.shape_cast %get3A_1059 : vector<16xi32> to vector<16xi32>
        %mul3A_1061 = arith.constant 16 : i32
        %mul3A_1062 = vector.broadcast %mul3A_1061 : i32 to vector<16xi32>
        %mul3A_1063 = arith.muli %get3A_1060, %mul3A_1062 : vector<16xi32>
        %get3A_1064 = arith.index_cast %mul3A_1058 : i32 to index
        %get3A_1065 = tpu.vector_load %arg8[%get3A_1064] {strides = array<i32>} : memref<1280xi32, #tpu.memory_space<vmem>>, vector<16xi32>,
        %get3A_1066 = vector.shape_cast %get3A_1065 : vector<16xi32> to vector<16xi32>
        %add3A_1067 = arith.addi %mul3A_1063, %get3A_1066 : vector<16xi32>
        %mul3A_1068 = arith.constant 1280 : i32
        %mul3A_1069 = arith.muli %scan3A_1046, %mul3A_1068 : i32
        %mul3A_1070 = arith.constant 16 : i32
        %mul3A_1071 = arith.muli %scan3A_1056, %mul3A_1070 : i32
        %add3A_1072 = arith.addi %mul3A_1069, %mul3A_1071 : i32
        %swap3A_1073 = arith.index_cast %add3A_1072 : i32 to index
        %swap3A_1074 = tpu.vector_load %arg9[%swap3A_1073] {strides = array<i32>} : memref<5120xi32, #tpu.memory_space<vmem>>, vector<16xi32>,
        %swap3A_1075 = vector.shape_cast %swap3A_1074 : vector<16xi32> to vector<16xi32>
        %swap3A_1076 = vector.shape_cast %add3A_1067 : vector<16xi32> to vector<16xi32>
        tpu.vector_store %arg9[%swap3A_1073], %swap3A_1076 {strides = array<i32>} : memref<5120xi32, #tpu.memory_space<vmem>>, vector<16xi32>,
      }
      %scan3A_1055 = arith.constant 80 : i32
    }
    %scan3A_1031 = arith.constant 4 : i32
    %barrier3A = arith.constant 0 : index
    tpu.barrier barrier_id(%barrier3A)
    %dma_start3A = arith.constant 0 : i32
    %dma_start3A_1032 = tpu.memref_slice %arg9[%dma_start3A] : memref<5120xi32, #tpu.memory_space<vmem>> -> memref<128xi32, #tpu.memory_space<vmem>>
    %dma_start3A_1033 = arith.constant 0 : i32
    %dma_start3A_1034 = arith.constant 0 : i32
    %dma_start3A_1035 = tpu.memref_slice %arg2[%dma_start3A_1033, %dma_start3A_1034] : memref<160000x128xf32, #tpu.memory_space<hbm>> -> memref<160000x128xf32, #tpu.memory_space<hbm>>
    tpu.enqueue_indirect_dma source(%dma_start3A_1035 : memref<160000x128xf32, #tpu.memory_space<hbm>>) target(%arg11 : memref<128x128xf32, #tpu.memory_space<vmem>>) offsets(%dma_start3A_1032 : memref<128xi32, #tpu.memory_space<vmem>>) semaphore(%arg15 : memref<!tpu.dma_semaphore, #tpu.memory_space<semaphore_mem>>)
    %scan3A_1036 = arith.constant 0 : i32
    %scan3A_1037 = arith.constant 20 : i32
    %scan3A_1038 = arith.addi %scan3A_1036, %scan3A_1037 : i32
    %scan3A_1039 = arith.constant 1 : i32
    scf.for %scan3A_1046 = %scan3A_1036 to %scan3A_1038 step %scan3A_1039  : i32 {
      %mul3A_1047 = arith.constant 2 : i32
      %mul3A_1048 = arith.muli %scan3A_1046, %mul3A_1047 : i32
      %add3A_1049 = arith.constant 1 : i32
      %add3A_1050 = arith.addi %mul3A_1048, %add3A_1049 : i32
      %lt3A = arith.constant 40 : i32
      %lt3A_1051 = arith.cmpi slt, %add3A_1050, %lt3A : i32
      %convert_element_type3A = arith.extui %lt3A_1051 : i1 to i32
      %cond3A = arith.constant 0 : i32
      %cond3A_1052 = arith.cmpi ne, %convert_element_type3A, %cond3A : i32
      scf.if %cond3A_1052 {
        %add3A_1071 = arith.constant 1 : i32
        %add3A_1072 = arith.addi %mul3A_1048, %add3A_1071 : i32
        %mul3A_1073 = arith.constant 128 : i32
        %mul3A_1074 = arith.muli %add3A_1072, %mul3A_1073 : i32
        %dma_start3A_1075 = tpu.memref_slice %arg9[%mul3A_1074] : memref<5120xi32, #tpu.memory_space<vmem>> -> memref<128xi32, #tpu.memory_space<vmem>>
        %dma_start3A_1076 = arith.constant 0 : i32
        %dma_start3A_1077 = arith.constant 0 : i32
        %dma_start3A_1078 = tpu.memref_slice %arg2[%dma_start3A_1076, %dma_start3A_1077] : memref<160000x128xf32, #tpu.memory_space<hbm>> -> memref<160000x128xf32, #tpu.memory_space<hbm>>
        tpu.enqueue_indirect_dma source(%dma_start3A_1078 : memref<160000x128xf32, #tpu.memory_space<hbm>>) target(%arg12 : memref<128x128xf32, #tpu.memory_space<vmem>>) offsets(%dma_start3A_1075 : memref<128xi32, #tpu.memory_space<vmem>>) semaphore(%arg16 : memref<!tpu.dma_semaphore, #tpu.memory_space<semaphore_mem>>)
      } else {
      }
      %dma_wait3A = arith.constant 0 : i32
      %dma_wait3A_1053 = tpu.memref_slice %arg9[%dma_wait3A] : memref<5120xi32, #tpu.memory_space<vmem>> -> memref<128xi32, #tpu.memory_space<vmem>>
      %dma_wait3A_1054 = arith.constant 0 : i32
      %dma_wait3A_1055 = arith.constant 0 : i32
      %dma_wait3A_1056 = tpu.memref_slice %arg2[%dma_wait3A_1054, %dma_wait3A_1055] : memref<160000x128xf32, #tpu.memory_space<hbm>> -> memref<160000x128xf32, #tpu.memory_space<hbm>>
      tpu.wait_indirect_dma semaphore(%arg15 : memref<!tpu.dma_semaphore, #tpu.memory_space<semaphore_mem>>) src(%dma_wait3A_1056 : memref<160000x128xf32, #tpu.memory_space<hbm>>) dst(%arg11 : memref<128x128xf32, #tpu.memory_space<vmem>>)
      "tpu.region"() ({
        %run_scoped3A = tpu.sem_alloc : memref<!tpu.dma_semaphore, #tpu.memory_space<semaphore_mem>>
        %dma_start3A_1071 = arith.constant 0 : i32
        %dma_start3A_1072 = tpu.memref_slice %arg10[%mul3A_1048, %dma_start3A_1071] : memref<40x128xi32, #tpu.memory_space<vmem>> -> memref<1x128xi32, #tpu.memory_space<vmem>>
        %dma_start3A_1073 = tpu.memref_squeeze %dma_start3A_1072 : memref<1x128xi32, #tpu.memory_space<vmem>> -> memref<128xi32, #tpu.memory_space<vmem>>
        %dma_start3A_1074 = arith.constant 0 : i32
        %dma_start3A_1075 = arith.constant 0 : i32
        %dma_start3A_1076 = tpu.memref_slice %arg14[%dma_start3A_1074, %dma_start3A_1075] : memref<10240x128xf32, #tpu.memory_space<vmem_shared>> -> memref<10240x128xf32, #tpu.memory_space<vmem_shared>>
        tpu.enqueue_indirect_dma source(%arg11 : memref<128x128xf32, #tpu.memory_space<vmem>>) target(%dma_start3A_1076 : memref<10240x128xf32, #tpu.memory_space<vmem_shared>>) offsets(%dma_start3A_1073 : memref<128xi32, #tpu.memory_space<vmem>>) semaphore(%run_scoped3A : memref<!tpu.dma_semaphore, #tpu.memory_space<semaphore_mem>>) {add = true}
        %dma_wait3A_1077 = arith.constant 0 : i32
        %dma_wait3A_1078 = tpu.memref_slice %arg10[%mul3A_1048, %dma_wait3A_1077] : memref<40x128xi32, #tpu.memory_space<vmem>> -> memref<1x128xi32, #tpu.memory_space<vmem>>
        %dma_wait3A_1079 = tpu.memref_squeeze %dma_wait3A_1078 : memref<1x128xi32, #tpu.memory_space<vmem>> -> memref<128xi32, #tpu.memory_space<vmem>>
        %dma_wait3A_1080 = arith.constant 0 : i32
        %dma_wait3A_1081 = arith.constant 0 : i32
        %dma_wait3A_1082 = tpu.memref_slice %arg14[%dma_wait3A_1080, %dma_wait3A_1081] : memref<10240x128xf32, #tpu.memory_space<vmem_shared>> -> memref<10240x128xf32, #tpu.memory_space<vmem_shared>>
        tpu.wait_indirect_dma semaphore(%run_scoped3A : memref<!tpu.dma_semaphore, #tpu.memory_space<semaphore_mem>>) src(%arg11 : memref<128x128xf32, #tpu.memory_space<vmem>>) dst(%dma_wait3A_1082 : memref<10240x128xf32, #tpu.memory_space<vmem_shared>>)
        tpu.yield
      }) : () -> ()
      %add3A_1057 = arith.constant 2 : i32
      %add3A_1058 = arith.addi %mul3A_1048, %add3A_1057 : i32
      %lt3A_1059 = arith.constant 40 : i32
      %lt3A_1060 = arith.cmpi slt, %add3A_1058, %lt3A_1059 : i32
      %convert_element_type3A_1061 = arith.extui %lt3A_1060 : i1 to i32
      %cond3A_1062 = arith.constant 0 : i32
      %cond3A_1063 = arith.cmpi ne, %convert_element_type3A_1061, %cond3A_1062 : i32
      scf.if %cond3A_1063 {
        %add3A_1071 = arith.constant 2 : i32
        %add3A_1072 = arith.addi %mul3A_1048, %add3A_1071 : i32
        %mul3A_1073 = arith.constant 128 : i32
        %mul3A_1074 = arith.muli %add3A_1072, %mul3A_1073 : i32
        %dma_start3A_1075 = tpu.memref_slice %arg9[%mul3A_1074] : memref<5120xi32, #tpu.memory_space<vmem>> -> memref<128xi32, #tpu.memory_space<vmem>>
        %dma_start3A_1076 = arith.constant 0 : i32
        %dma_start3A_1077 = arith.constant 0 : i32
        %dma_start3A_1078 = tpu.memref_slice %arg2[%dma_start3A_1076, %dma_start3A_1077] : memref<160000x128xf32, #tpu.memory_space<hbm>> -> memref<160000x128xf32, #tpu.memory_space<hbm>>
        tpu.enqueue_indirect_dma source(%dma_start3A_1078 : memref<160000x128xf32, #tpu.memory_space<hbm>>) target(%arg11 : memref<128x128xf32, #tpu.memory_space<vmem>>) offsets(%dma_start3A_1075 : memref<128xi32, #tpu.memory_space<vmem>>) semaphore(%arg15 : memref<!tpu.dma_semaphore, #tpu.memory_space<semaphore_mem>>)
      } else {
      }
      %add3A_1064 = arith.constant 1 : i32
      %add3A_1065 = arith.addi %mul3A_1048, %add3A_1064 : i32
      %lt3A_1066 = arith.constant 40 : i32
      %lt3A_1067 = arith.cmpi slt, %add3A_1065, %lt3A_1066 : i32
      %convert_element_type3A_1068 = arith.extui %lt3A_1067 : i1 to i32
      %cond3A_1069 = arith.constant 0 : i32
      %cond3A_1070 = arith.cmpi ne, %convert_element_type3A_1068, %cond3A_1069 : i32
      scf.if %cond3A_1070 {
        %dma_wait3A_1071 = arith.constant 0 : i32
        %dma_wait3A_1072 = tpu.memref_slice %arg9[%dma_wait3A_1071] : memref<5120xi32, #tpu.memory_space<vmem>> -> memref<128xi32, #tpu.memory_space<vmem>>
        %dma_wait3A_1073 = arith.constant 0 : i32
        %dma_wait3A_1074 = arith.constant 0 : i32
        %dma_wait3A_1075 = tpu.memref_slice %arg2[%dma_wait3A_1073, %dma_wait3A_1074] : memref<160000x128xf32, #tpu.memory_space<hbm>> -> memref<160000x128xf32, #tpu.memory_space<hbm>>
        tpu.wait_indirect_dma semaphore(%arg16 : memref<!tpu.dma_semaphore, #tpu.memory_space<semaphore_mem>>) src(%dma_wait3A_1075 : memref<160000x128xf32, #tpu.memory_space<hbm>>) dst(%arg12 : memref<128x128xf32, #tpu.memory_space<vmem>>)
        %add3A_1076 = arith.constant 1 : i32
        %add3A_1077 = arith.addi %mul3A_1048, %add3A_1076 : i32
        "tpu.region"() ({
          %run_scoped3A = tpu.sem_alloc : memref<!tpu.dma_semaphore, #tpu.memory_space<semaphore_mem>>
          %dma_start3A_1078 = arith.constant 0 : i32
          %dma_start3A_1079 = tpu.memref_slice %arg10[%add3A_1077, %dma_start3A_1078] : memref<40x128xi32, #tpu.memory_space<vmem>> -> memref<1x128xi32, #tpu.memory_space<vmem>>
          %dma_start3A_1080 = tpu.memref_squeeze %dma_start3A_1079 : memref<1x128xi32, #tpu.memory_space<vmem>> -> memref<128xi32, #tpu.memory_space<vmem>>
          %dma_start3A_1081 = arith.constant 0 : i32
          %dma_start3A_1082 = arith.constant 0 : i32
          %dma_start3A_1083 = tpu.memref_slice %arg14[%dma_start3A_1081, %dma_start3A_1082] : memref<10240x128xf32, #tpu.memory_space<vmem_shared>> -> memref<10240x128xf32, #tpu.memory_space<vmem_shared>>
          tpu.enqueue_indirect_dma source(%arg12 : memref<128x128xf32, #tpu.memory_space<vmem>>) target(%dma_start3A_1083 : memref<10240x128xf32, #tpu.memory_space<vmem_shared>>) offsets(%dma_start3A_1080 : memref<128xi32, #tpu.memory_space<vmem>>) semaphore(%run_scoped3A : memref<!tpu.dma_semaphore, #tpu.memory_space<semaphore_mem>>) {add = true}
          %dma_wait3A_1084 = arith.constant 0 : i32
          %dma_wait3A_1085 = tpu.memref_slice %arg10[%add3A_1077, %dma_wait3A_1084] : memref<40x128xi32, #tpu.memory_space<vmem>> -> memref<1x128xi32, #tpu.memory_space<vmem>>
          %dma_wait3A_1086 = tpu.memref_squeeze %dma_wait3A_1085 : memref<1x128xi32, #tpu.memory_space<vmem>> -> memref<128xi32, #tpu.memory_space<vmem>>
          %dma_wait3A_1087 = arith.constant 0 : i32
          %dma_wait3A_1088 = arith.constant 0 : i32
          %dma_wait3A_1089 = tpu.memref_slice %arg14[%dma_wait3A_1087, %dma_wait3A_1088] : memref<10240x128xf32, #tpu.memory_space<vmem_shared>> -> memref<10240x128xf32, #tpu.memory_space<vmem_shared>>
          tpu.wait_indirect_dma semaphore(%run_scoped3A : memref<!tpu.dma_semaphore, #tpu.memory_space<semaphore_mem>>) src(%arg12 : memref<128x128xf32, #tpu.memory_space<vmem>>) dst(%dma_wait3A_1089 : memref<10240x128xf32, #tpu.memory_space<vmem_shared>>)
          tpu.yield
        }) : () -> ()
      } else {
      }
    }
    %scan3A_1040 = arith.constant 20 : i32
    %barrier3A_1041 = arith.constant 0 : index
    tpu.barrier barrier_id(%barrier3A_1041)
    %mul3A_1042 = arith.constant 640 : i32
    %mul3A_1043 = arith.muli %arg1, %mul3A_1042 : i32
    %mul3A_1044 = arith.constant 640 : i32
    %mul3A_1045 = arith.muli %arg1, %mul3A_1044 : i32
    "tpu.region"() ({
      %run_scoped3A = tpu.sem_alloc : memref<!tpu.dma_semaphore, #tpu.memory_space<semaphore_mem>>
      %dma_start3A_1046 = arith.constant 0 : i32
      %dma_start3A_1047 = tpu.memref_slice %arg6[%arg0, %mul3A_1045, %dma_start3A_1046] : memref<2x10240x128xf32, #tpu.memory_space<hbm>> -> memref<1x640x128xf32, #tpu.memory_space<hbm>>
      %dma_start3A_1048 = tpu.memref_squeeze %dma_start3A_1047 : memref<1x640x128xf32, #tpu.memory_space<hbm>> -> memref<640x128xf32, #tpu.memory_space<hbm>>
      %dma_start3A_1049 = arith.constant 0 : i32
      %dma_start3A_1050 = tpu.memref_slice %arg14[%mul3A_1043, %dma_start3A_1049] : memref<10240x128xf32, #tpu.memory_space<vmem_shared>> -> memref<640x128xf32, #tpu.memory_space<vmem_shared>>
      tpu.enqueue_dma source(%dma_start3A_1050 : memref<640x128xf32, #tpu.memory_space<vmem_shared>>) target(%dma_start3A_1048 : memref<640x128xf32, #tpu.memory_space<hbm>>) target_semaphore(%run_scoped3A : memref<!tpu.dma_semaphore, #tpu.memory_space<semaphore_mem>>)
      %dma_wait3A = arith.constant 0 : i32
      %dma_wait3A_1051 = tpu.memref_slice %arg6[%arg0, %mul3A_1045, %dma_wait3A] : memref<2x10240x128xf32, #tpu.memory_space<hbm>> -> memref<1x640x128xf32, #tpu.memory_space<hbm>>
      %dma_wait3A_1052 = tpu.memref_squeeze %dma_wait3A_1051 : memref<1x640x128xf32, #tpu.memory_space<hbm>> -> memref<640x128xf32, #tpu.memory_space<hbm>>
      %dma_wait3A_1053 = arith.constant 0 : i32
      %dma_wait3A_1054 = tpu.memref_slice %arg14[%mul3A_1043, %dma_wait3A_1053] : memref<10240x128xf32, #tpu.memory_space<vmem_shared>> -> memref<640x128xf32, #tpu.memory_space<vmem_shared>>
      tpu.wait_dma2 semaphore(%run_scoped3A : memref<!tpu.dma_semaphore, #tpu.memory_space<semaphore_mem>>) src(%dma_wait3A_1054 : memref<640x128xf32, #tpu.memory_space<vmem_shared>>) dst(%dma_wait3A_1052 : memref<640x128xf32, #tpu.memory_space<hbm>>)
      tpu.yield
    }) : () -> ()
    return
  }
}

module attributes {stable_mosaic.version = 14 : i64} {
  func.func @_transform_body(%arg0: i32, %arg1: memref<400x128xf32, #tpu.memory_space<vmem>>, %arg2: memref<128x2048xf32, #tpu.memory_space<vmem>>, %arg3: memref<400x2048xf32, #tpu.memory_space<vmem>>) attributes {dimension_semantics = [#tpu.dimension_semantics<arbitrary>], iteration_bounds = array<i64: 25>, scalar_prefetch = 0 : i64, scratch_operands = 0 : i64, tpu.core_type = #tpu.core_type<tc>, window_params = [{transform_indices = @transform_0, window_bounds = array<i64: 400, 128>}, {pipeline_mode = #tpu.pipeline_mode<synchronous>, transform_indices = @transform_1, window_bounds = array<i64: 128, 2048>}, {transform_indices = @transform_2, window_bounds = array<i64: 400, 2048>}]} {
    %get3A = arith.constant 0 : index
    %get3A_0 = arith.constant 0 : index
    %get3A_1 = vector.load %arg1[%get3A, %get3A_0] : memref<400x128xf32, #tpu.memory_space<vmem>>, vector<400x128xf32>
    %get3A_2 = arith.constant 0 : index
    %get3A_3 = arith.constant 0 : index
    %get3A_4 = vector.load %arg2[%get3A_2, %get3A_3] : memref<128x2048xf32, #tpu.memory_space<vmem>>, vector<128x2048xf32>
    %dot_general3A = arith.constant dense<0.000000e+00> : vector<400x2048xf32>
    %dot_general3A_5 = tpu.matmul %get3A_1, %get3A_4, %dot_general3A {dimension_numbers = #tpu.dot_dimension_numbers<[1], [0], [0], [1], [0, 0, 1, 1], [], []>, transpose_lhs_hint = false} : vector<400x128xf32>, vector<128x2048xf32>, vector<400x2048xf32> -> vector<400x2048xf32>
    %swap3A = arith.constant 0 : index
    %swap3A_6 = arith.constant 0 : index
    %swap3A_7 = vector.load %arg3[%swap3A, %swap3A_6] : memref<400x2048xf32, #tpu.memory_space<vmem>>, vector<400x2048xf32>
    tpu.vector_store %arg3[%swap3A, %swap3A_6], %dot_general3A_5 {strides = array<i32>} : memref<400x2048xf32, #tpu.memory_space<vmem>>, vector<400x2048xf32>,
    return
  }
  func.func @transform_0(%arg0: i32) -> (i32, i32) {
    %c0_i32 = arith.constant 0 : i32
    %c0_i32_0 = arith.constant 0 : i32
    return %arg0, %c0_i32 : i32, i32
  }
  func.func @transform_1(%arg0: i32) -> (i32, i32) {
    %c0_i32 = arith.constant 0 : i32
    %c0_i32_0 = arith.constant 0 : i32
    %c0_i32_1 = arith.constant 0 : i32
    return %c0_i32, %c0_i32_0 : i32, i32
  }
  func.func @transform_2(%arg0: i32) -> (i32, i32) {
    %c0_i32 = arith.constant 0 : i32
    %c0_i32_0 = arith.constant 0 : i32
    return %arg0, %c0_i32 : i32, i32
  }
}

module attributes {stable_mosaic.version = 14 : i64} {
  func.func @_combine_body(%arg0: i32, %arg1: memref<1x1000x128xf32, #tpu.memory_space<vmem>>, %arg2: memref<1x1000x128xf32, #tpu.memory_space<vmem>>, %arg3: memref<1x128xf32, #tpu.memory_space<vmem>>, %arg4: memref<1000x128xf32, #tpu.memory_space<vmem>>) attributes {dimension_semantics = [#tpu.dimension_semantics<arbitrary>], iteration_bounds = array<i64: 10>, scalar_prefetch = 0 : i64, scratch_operands = 0 : i64, tpu.core_type = #tpu.core_type<tc>, window_params = [{transform_indices = @transform_0, window_bounds = array<i64: 1, 1000, 128>}, {transform_indices = @transform_1, window_bounds = array<i64: 1, 1000, 128>}, {pipeline_mode = #tpu.pipeline_mode<synchronous>, transform_indices = @transform_2, window_bounds = array<i64: 1, 128>}, {transform_indices = @transform_3, window_bounds = array<i64: 1000, 128>}]} {
    %get3A = arith.constant 0 : index
    %get3A_0 = arith.constant 0 : index
    %get3A_1 = arith.constant 0 : index
    %get3A_2 = vector.load %arg1[%get3A, %get3A_0, %get3A_1] : memref<1x1000x128xf32, #tpu.memory_space<vmem>>, vector<1x1000x128xf32>
    %get3A_3 = vector.shape_cast %get3A_2 : vector<1x1000x128xf32> to vector<1000x128xf32>
    %get3A_4 = arith.constant 0 : index
    %get3A_5 = arith.constant 0 : index
    %get3A_6 = arith.constant 0 : index
    %get3A_7 = vector.load %arg2[%get3A_4, %get3A_5, %get3A_6] : memref<1x1000x128xf32, #tpu.memory_space<vmem>>, vector<1x1000x128xf32>
    %get3A_8 = vector.shape_cast %get3A_7 : vector<1x1000x128xf32> to vector<1000x128xf32>
    %add3A = arith.addf %get3A_3, %get3A_8 : vector<1000x128xf32>
    %get3A_9 = arith.constant 0 : index
    %get3A_10 = arith.constant 0 : index
    %get3A_11 = vector.load %arg3[%get3A_9, %get3A_10] : memref<1x128xf32, #tpu.memory_space<vmem>>, vector<1x128xf32>
    %add3A_12 = vector.broadcast %get3A_11 : vector<1x128xf32> to vector<1000x128xf32>
    %add3A_13 = arith.addf %add3A, %add3A_12 : vector<1000x128xf32>
    %swap3A = arith.constant 0 : index
    %swap3A_14 = arith.constant 0 : index
    %swap3A_15 = vector.load %arg4[%swap3A, %swap3A_14] : memref<1000x128xf32, #tpu.memory_space<vmem>>, vector<1000x128xf32>
    tpu.vector_store %arg4[%swap3A, %swap3A_14], %add3A_13 {strides = array<i32>} : memref<1000x128xf32, #tpu.memory_space<vmem>>, vector<1000x128xf32>,
    return
  }
  func.func @transform_0(%arg0: i32) -> (i32, i32, i32) {
    %c0_i32 = arith.constant 0 : i32
    %c0_i32_0 = arith.constant 0 : i32
    %c0_i32_1 = arith.constant 0 : i32
    return %c0_i32, %arg0, %c0_i32_0 : i32, i32, i32
  }
  func.func @transform_1(%arg0: i32) -> (i32, i32, i32) {
    %c1_i32 = arith.constant 1 : i32
    %c0_i32 = arith.constant 0 : i32
    %c0_i32_0 = arith.constant 0 : i32
    return %c1_i32, %arg0, %c0_i32 : i32, i32, i32
  }
  func.func @transform_2(%arg0: i32) -> (i32, i32) {
    %c0_i32 = arith.constant 0 : i32
    %c0_i32_0 = arith.constant 0 : i32
    %c0_i32_1 = arith.constant 0 : i32
    return %c0_i32, %c0_i32_0 : i32, i32
  }
  func.func @transform_3(%arg0: i32) -> (i32, i32) {
    %c0_i32 = arith.constant 0 : i32
    %c0_i32_0 = arith.constant 0 : i32
    return %arg0, %c0_i32 : i32, i32
  }
}

</mosaic_0001>

<sc_bundles>
// kernel: kernel.5.cloned.1.call-start
scs
__scs_entry_jumppad:
0x0: {  	(pc) =	sbr.rel $0x88, $3  }
0x1: {  	(tag) =	ssettag $0x0;
	lr =	simm.s32 $0x1  }
0x2: {  	[smem:$0x3F9C] =	sst lr;
	_ =	strace $0xD0000000  }
0x3: {  	_ = 	snop  }
0x4: {  	_ = 	snop  }
0x5: {  	_ = 	snop  }
0x6: {  	_ = 	snop  }
0x7: {  	_ = 	snop  }
__scs_overlays_trampoline_lowered:
0x8: {  	[smem:$0x3FAB] =	sst s0  }
0x9: {  	[smem:$0x3FAC] =	sst s1  }
0xa: {  	[smem:$0x3FAD] =	sst s2  }
0xb: {  	[smem:$0x3FAE] =	sst s3  }
0xc: {  	[smem:$0x3FAF] =	sst s4  }
0xd: {  	[smem:$0x3FB0] =	sst s5  }
0xe: {  	[smem:$0x3FB1] =	sst s6  }
0xf: {  	[smem:$0x3FB2] =	sst s7  }
0x10: {  	[smem:$0x3FB3] =	sst s8  }
0x11: {  	[smem:$0x3FB4] =	sst s9;
	s0 =	simm.s32 @!p0 $0x0  }
0x12: {  	s1 =	sld [smem:$0x3F9A];
	s0 =	simm.s32 @p0 $0x1  }
0x13: {  	[smem:$0x3FB5] =	sst s0;
	s0 =	simm.s32 @!p1 $0x0  }
0x14: {  	s2 =	sld [smem:$0x3F99];
	s0 =	simm.s32 @p1 $0x1  }
0x15: {  	[smem:$0x3FB6] =	sst s0;
	s0 =	simm.s32 @!p2 $0x0  }
0x16: {  	s3 =	sld [smem:$0x3FDB];
	s0 =	simm.s32 @p2 $0x1  }
0x17: {  	s4 =	simm.s32 $0x1BF5;
	[smem:$0x3FB8] =	sst s0  }
0x18: {  	s0 =	sld [smem:$0x3F9B];
	_ =	swait.ge [sflag:s4], $0x0  }
0x19: {  	s7 =	sld [smem:$0x3F9C]  }
0x1a: {  	s8 =	sadd.s32 $0xFFFFE003, lr  }
0x1b: {  	s9 =	sadd.s32 $0xFFFFFEF7, lr;
	s5 =	simm.s32 $0xFFFFFFFF;
	p2 =	slt.u32 s8, $0xFFFFF086  }
0x1c: {  	p1 =	slt.u32 s9, $0xF7A;
	s5 =	simm.s32 @!p2 $0x0  }
0x1d: {  	s5 =	simm.s32 @p1 $0x1;
	p0 =	seq.s32 s7, s2  }
0x1e: {  	s7 =	smul.u32 @!p0 $0xF7A, s2;
	p2 =	seq.s32 @!p0 s5, $0x0  }
0x1f: {  	s9 =	smul.u32 $0xF7A, s1;
	s8 =	simm.s32 @!p0 $0x1BF5;
	p2 =	por !p2, p0  }
0x20: {  	[sflag:s8] =	ssyncset.s32 @!p0 $0xFFFFF086;
	s6 =	sadd.s32 @!p0 s3, s7;
	s7 =	simm.s32 @!p0 $0x108  }
0x21: {  	s3 =	sadd.s32 s3, s9;
	s6 =	sadd.s32 @!p0 $0x88, s6;
	s7 =	simm.s32 @p2 $0x1082  }
0x22: {  	[simem:s7], [sflag:s8] =	dma.local @!p0 [hbm:s6], $0xF7A  }
0x23: {  	s9 =	sor.u32 $0xD0000000, s2;
	s6 =	simm.s32 $0x108;
	_ =	swait.ge @!p0 [sflag:s8], $0x0  }
0x24: {  	s3 =	sadd.s32 $0x88, s3;
	s6 =	simm.s32 @!p1 $0x1082;
	[sflag:s4] =	ssyncset.s32 $0xFFFFF086  }
0x25: {  	[simem:s6], [sflag:s4] =	dma.local [hbm:s3], $0xF7A  }
0x26: {  	[smem:$0x3F9C] =	sst s1;
	(tag) =	ssettag s2;
	_ =	strace s9  }
0x27: {  	s1 =	sld [smem:$0x3FAC]  }
0x28: {  	s2 =	sld [smem:$0x3FAD]  }
0x29: {  	s4 =	sld [smem:$0x3FAF]  }
0x2a: {  	p0 =	seq.s32 s5, $0x0;
	s5 =	sld [smem:$0x3FB0]  }
0x2b: {  	s6 =	sld [smem:$0x3FB1]  }
0x2c: {  	s7 =	sld [smem:$0x3FB2]  }
0x2d: {  	s3 =	simm.s32 $0x108;
	s8 =	sld [smem:$0x3FB3]  }
0x2e: {  	s3 =	simm.s32 @!p0 $0x1082;
	s9 =	sld [smem:$0x3FB4]  }
0x2f: {  	lr =	sadd.s32 s0, s3;
	s0 =	sld [smem:$0x3FAB]  }
0x30: {  	s3 =	sld [smem:$0x3FAE]  }
0x31: {  	[smem:$0x3FB7] =	sst s10  }
0x32: {  	s10 =	sld [smem:$0x3FB5];
	_ =	sdelay $0x3  }
0x33: {  	p0 =	seq.s32 s10, $0x1;
	s10 =	sld [smem:$0x3FB7];
	_ =	sdelay $0x3  }
0x34: {  	[smem:$0x3FB7] =	sst s10  }
0x35: {  	s10 =	sld [smem:$0x3FB6];
	_ =	sdelay $0x3  }
0x36: {  	p1 =	seq.s32 s10, $0x1;
	s10 =	sld [smem:$0x3FB7];
	_ =	sdelay $0x3  }
0x37: {  	[smem:$0x3FB7] =	sst s10  }
0x38: {  	s10 =	sld [smem:$0x3FB8]  }
0x39: {  	_ = 	snop;
	(pc) =	sbr.ind lr, $3  }
0x3a: {  	_ = 	snop  }
0x3b: {  	_ = 	snop  }
0x3c: {  	p2 =	seq.s32 s10, $0x1;
	s10 =	sld [smem:$0x3FB7]  }
0x3d: {  	_ =	shalt  }
0x3e: {  	_ =	shalt  }
0x3f: {  	_ =	shalt  }
0x40: {  	_ =	shalt  }
0x41: {  	_ =	shalt  }
0x42: {  	_ =	shalt  }
0x43: {  	_ =	shalt  }
0x44: {  	_ =	shalt  }
0x45: {  	_ =	shalt  }
0x46: {  	_ =	shalt  }
0x47: {  	_ =	shalt  }
0x48: {  	_ =	shalt  }
0x49: {  	_ =	shalt  }
0x4a: {  	_ =	shalt  }
0x4b: {  	_ =	shalt  }
0x4c: {  	_ =	shalt  }
0x4d: {  	_ =	shalt  }
0x4e: {  	_ =	shalt  }
0x4f: {  	_ =	shalt  }
0x50: {  	_ =	shalt  }
0x51: {  	_ =	shalt  }
0x52: {  	_ =	shalt  }
0x53: {  	_ =	shalt  }
0x54: {  	_ =	shalt  }
0x55: {  	_ =	shalt  }
0x56: {  	_ =	shalt  }
0x57: {  	_ =	shalt  }
0x58: {  	_ =	shalt  }
0x59: {  	_ =	shalt  }
0x5a: {  	_ =	shalt  }
0x5b: {  	_ =	shalt  }
0x5c: {  	_ =	shalt  }
0x5d: {  	_ =	shalt  }
0x5e: {  	_ =	shalt  }
0x5f: {  	_ =	shalt  }
0x60: {  	_ =	shalt  }
0x61: {  	_ =	shalt  }
0x62: {  	_ =	shalt  }
0x63: {  	_ =	shalt  }
0x64: {  	_ =	shalt  }
0x65: {  	_ =	shalt  }
0x66: {  	_ =	shalt  }
0x67: {  	_ =	shalt  }
0x68: {  	_ =	shalt  }
0x69: {  	_ =	shalt  }
0x6a: {  	_ =	shalt  }
0x6b: {  	_ =	shalt  }
0x6c: {  	_ =	shalt  }
0x6d: {  	_ =	shalt  }
0x6e: {  	_ =	shalt  }
0x6f: {  	_ =	shalt  }
0x70: {  	_ =	shalt  }
0x71: {  	_ =	shalt  }
0x72: {  	_ =	shalt  }
0x73: {  	_ =	shalt  }
0x74: {  	_ =	shalt  }
0x75: {  	_ =	shalt  }
0x76: {  	_ =	shalt  }
0x77: {  	_ =	shalt  }
0x78: {  	_ =	shalt  }
0x79: {  	_ =	shalt  }
0x7a: {  	_ =	shalt  }
0x7b: {  	_ =	shalt  }
0x7c: {  	_ =	shalt  }
0x7d: {  	_ =	shalt  }
0x7e: {  	_ =	shalt  }
0x7f: {  	_ =	shalt  }
0x80: {  	_ =	shalt  }
0x81: {  	_ =	shalt  }
0x82: {  	_ =	shalt  }
0x83: {  	_ =	shalt  }
0x84: {  	_ =	shalt  }
0x85: {  	_ =	shalt  }
0x86: {  	_ =	shalt  }
0x87: {  	_ =	shalt  }
.Lfunc_end0:
.L_simem_size_0:
called_computation_lowered:
.L_overlay_start_0:
0x88: {  	s2 =	sld [smem:$0x3FD9]  }
0x89: {  	s3 =	sld [smem:$0x3FFE];
	_ =	sdelay $0x1  }
0x8a: {  	s1 =	srdreg.scid  }
0x8b: {  	s0 =	sand.u32 $0x1, s1  }
0x8c: {  	s17 =	sshll.u32 s0, $0xA;
	s2 =	sadd.s32 s3, s2  }
0x8d: {  	s2 =	sadd.s32 s2, s17  }
0x8e: {  	[smem:$0x3FC3] =	sst s2  }
0x8f: {  	_ = 	snop  }
0x90: {  	s2 =	sld [smem:$0x3FD0];
	(tm) =	ssettm $0x1  }
0x91: {  	s18 =	sld [smem:$0x3FFB];
	_ =	sdelay $0x3  }
0x92: {  	_ =	strace s18  }
0x93: {  	s3 =	sld [smem:$0x3FFC];
	_ =	sdelay $0x3  }
0x94: {  	_ =	strace s3  }
0x95: {  	s3 =	sld [smem:$0x3FFD];
	_ =	sdelay $0x3  }
0x96: {  	_ =	strace s3  }
0x97: {  	_ =	strace $0x8FFFFFFF  }
0x98: {  	s19 =	sld [smem:$0x3FDB];
	_ =	sdelay $0x1  }
0x99: {  	s4 =	simm.s32 $_scs_section_size  }
0x9a: {  	s5 =	simm.s32 $_size__tile_overlayer_lowered;
	s6 =	simm.s32 $_tile_overlayer_lowered  }
0x9b: {  	s22 =	simm.s32 $0x1BFF;
	s21 =	sshll.u32 s6, $0x1;
	s3 =	sadd.s32 s4, s19  }
0x9c: {  	s7 =	simm.s32 $0x0;
	s20 =	sshll.u32 s5, $0x1;
	s5 =	sadd.s32 s21, s3  }
0x9d: {  	[timem:s7], [sflag:s22] =	dma.local [hbm:s5], s20  }
0x9e: {  	_ =	swait.ge [sflag:s22], s20  }
0x9f: {  	s4 =	ssub.s32 $0x0, s20;
	[sflag:s22] =	ssyncset.done $0x0  }
0xa0: {  	[sflag:s22] =	ssyncadd.s32 s4;
	_ =	sdelay $0x1  }
0xa1: {  	s23 =	simm.s32 $0x1B8B  }
0xa2: {  	_ =	swait.ge [sflag:s23], $0x1  }
0xa3: {  	[sflag:s23] =	ssyncset.done $0x0  }
0xa4: {  	s25 =	simm.s32 $0x1B8E;
	s24 =	sld [smem:$0x3FFE];
	[sflag:s23] =	ssyncadd.s32 $0xFFFFFFFF  }
0xa5: {  	s26 =	simm.s32 $execute0_lowered;
	[smem:$0x3FD2] =	sst s25  }
0xa6: {  	s5 =	sshll.u32 s26, $0x1;
	_ =	strace $0x80000046;
	[dreg:$0x1] =	wrdreg $0xFFFFFFFF  }
0xa7: {  	s28 =	simm.s32 $_size_execute0_lowered;
	s3 =	sadd.s32 s3, s5;
	[dreg:$0x0] =	wrdreg $0x0  }
0xa8: {  	s5 =	sshll.u32 s28, $0x1;
	[dreg:$0x2] =	wrdreg s3  }
0xa9: {  	[dreg:$0x3] =	wrdreg s5  }
0xaa: {  	[dreg:$0x4] =	wrdreg $0xC0  }
0xab: {  	_ =	task [dreg:s7], $0x5FFFF  }
0xac: {  	[dreg:$0x1] =	wrdreg $0xFFFFFFFF  }
0xad: {  	[dreg:$0x0] =	wrdreg $0x60  }
0xae: {  	[dreg:$0x2] =	wrdreg s24  }
0xaf: {  	[dreg:$0x3] =	wrdreg s2  }
0xb0: {  	[dreg:$0x4] =	wrdreg $0xBA000  }
0xb1: {  	[dreg:$0x5] =	wrdreg $0x9  }
0xb2: {  	_ =	task.clear_ibuf [dreg:s7], $0x6FFFF;
	_ =	strace $0x90000046  }
0xb3: {  	s29 =	simm.s32 $0x9;
	_ =	strace $0x80000048  }
0xb4: {  	_ =	swait.ge [sflag:s29], $0x1  }
0xb5: {  	[sflag:s29] =	ssyncadd.s32 $0xFFFFFFFF  }
0xb6: {  	_ =	strace $0x90000048  }
0xb7: {  	_ =	sfence  }
0xb8: {  	s30 =	sld [smem:$0x0];
	_ =	sdelay $0x2  }
0xb9: {  	s31 =	sshll.u32 s1, $0xD;
	s1 =	sshrl.u32 s1, $0x2  }
0xba: {  	s3 =	sand.u32 $0x4000, s31;
	s1 =	sadd.s32 s1, s30  }
0xbb: {  	s0 =	sor.u32 s3, s0;
	s1 =	sshll.u32 s1, $0x11  }
0xbc: {  	s0 =	sor.u32 s1, s0  }
0xbd: {  	s0 =	sadd.s32 $0x8F2B, s0  }
0xbe: {  	[sflag:s0] =	ssyncadd.remote.s32 $0x1  }
0xbf: {  	_ =	sfence.sel $0xFFFF  }
0xc0: {  	[dreg:$0x0] =	wrdreg $0xFFFFFFFF;
	(pc) =	sbr.abs _section_cstart, $3  }
0xc1: {  	[dreg:$0x1] =	wrdreg $0xFFFFFFFF  }
0xc2: {  	_ =	task.clear_ibuf [dreg:s7], $0x2FFFF;
	_ =	strace $0x9FFFFFFF  }
0xc3: {  	(tm) =	ssettm $0x7FFFFFFF  }
tec
execute0_lowered:
.L_overlay_start_1:
0x0: {  	(tag) =	ssettag $0x1  }
0x1: {  	s1 =	srdreg.scid  }
0x2: {  	s0 =	stileid.u32;
	s7 =	rddreg [dreg:$0x0]  }
0x3: {  	s2 =	rddreg [dreg:$0x1];
	s4 =	simm.s32 $0x0;
	s13 =	simm.s32 $0x3  }
0x4: {  	s15 =	simm.s32 $0x80;
	s16 =	simm.s32 $0x400;
	s18 =	simm.s32 $0x3200  }
0x5: {  	s19 =	simm.s32 $0x7200;
	s20 =	simm.s32 $0x1;
	s21 =	simm.s32 $0x4  }
0x6: {  	s22 =	simm.s32 $0x2;
	s24 =	simm.s32 $0x3100;
	s25 =	simm.s32 $0x3180  }
0x7: {  	s1 =	sand.u32 $0x1, s1;
	s3 =	sshll.u32 s0, $0x1;
	s11 =	smul.u32 $0x14000, s0  }
0x8: {  	[smem:$0x7FF] =	sst s4;
	s5 =	sadd.s32 $0x271C00, s7;
	s29 =	smul.u32 $0x50000, s0  }
0x9: {  	s6 =	sadd.s32 $0xC00, s7;
	s12 =	sshrl.u32 s0, $0x2;
	s10 =	smul.u32 $0x140000, s1  }
0xa: {  	s8 =	sor.u32 s1, s3;
	s3 =	rddreg [dreg:$0x2];
	s12 =	smul.u32 $0xA000, s12  }
0xb: {  	_ =	strace $0x80000047;
	s1 =	ssub.s32 $0x2, s1;
	s9 =	smul.u32 $0x280, s8  }
0xc: {  	s30 =	sshrl.u32 s1, $0x1;
	s8 =	sshll.u32 s8, $0x7;
	s10 =	sadd.s32 s11, s10  }
0xd: {  	s11 =	sshrl.u32 s29, $0x2;
	s1 =	ssub.s32 s1, s30;
	s10 =	sshrl.u32 s10, $0x3  }
0xe: {  	s31 =	sand.u32 $0x380, s8;
	s9 =	sadd.s32 s9, s7;
	s10 =	sadd.s32 s10, s7  }
0xf: {  	s7 =	sadd.s32 s11, s3;
	s8 =	sadd.s32 $0x5C00, s9;
	s9 =	sor.u32 s31, s12  }
0x10: {  	v0 =	vimm.f32 $0.0e+00;
	s11 =	smax.u32 s1, $0x1;
	s12 =	simm.s32 $0xB200;
	s10 =	sadd.s32 $0xAC00, s10  }
.LBB2_1:
0x11: {  	[tilespmem:$0xB200] =	vst v0  }
0x12: {  	[tilespmem:$0xB210] =	vst v0  }
0x13: {  	[tilespmem:$0xB220] =	vst v0  }
0x14: {  	[tilespmem:$0xB230] =	vst v0  }
0x15: {  	[tilespmem:$0xB240] =	vst v0  }
0x16: {  	[tilespmem:$0xB250] =	vst v0  }
0x17: {  	[tilespmem:$0xB260] =	vst v0  }
0x18: {  	[tilespmem:$0xB270] =	vst v0  }
0x19: {  	[tilespmem:$0xB280] =	vst v0  }
0x1a: {  	[tilespmem:$0xB290] =	vst v0  }
0x1b: {  	[tilespmem:$0xB2A0] =	vst v0  }
0x1c: {  	[tilespmem:$0xB2B0] =	vst v0  }
0x1d: {  	[tilespmem:$0xB2C0] =	vst v0  }
0x1e: {  	[tilespmem:$0xB2D0] =	vst v0  }
0x1f: {  	[tilespmem:$0xB2E0] =	vst v0  }
0x20: {  	[tilespmem:$0xB2F0] =	vst v0  }
0x21: {  	[tilespmem:$0xB300] =	vst v0  }
0x22: {  	[tilespmem:$0xB310] =	vst v0  }
0x23: {  	[tilespmem:$0xB320] =	vst v0  }
0x24: {  	[tilespmem:$0xB330] =	vst v0  }
0x25: {  	[tilespmem:$0xB340] =	vst v0  }
0x26: {  	[tilespmem:$0xB350] =	vst v0  }
0x27: {  	[tilespmem:$0xB360] =	vst v0  }
0x28: {  	[tilespmem:$0xB370] =	vst v0  }
0x29: {  	[tilespmem:$0xB380] =	vst v0  }
0x2a: {  	[tilespmem:$0xB390] =	vst v0  }
0x2b: {  	[tilespmem:$0xB3A0] =	vst v0  }
0x2c: {  	[tilespmem:$0xB3B0] =	vst v0  }
0x2d: {  	[tilespmem:$0xB3C0] =	vst v0  }
0x2e: {  	[tilespmem:$0xB3D0] =	vst v0  }
0x2f: {  	[tilespmem:$0xB3E0] =	vst v0  }
0x30: {  	[tilespmem:$0xB3F0] =	vst v0  }
0x31: {  	[tilespmem:$0xB400] =	vst v0  }
0x32: {  	[tilespmem:$0xB410] =	vst v0  }
0x33: {  	[tilespmem:$0xB420] =	vst v0  }
0x34: {  	[tilespmem:$0xB430] =	vst v0  }
0x35: {  	[tilespmem:$0xB440] =	vst v0  }
0x36: {  	[tilespmem:$0xB450] =	vst v0  }
0x37: {  	[tilespmem:$0xB460] =	vst v0  }
0x38: {  	[tilespmem:$0xB470] =	vst v0  }
0x39: {  	[tilespmem:$0xB480] =	vst v0  }
0x3a: {  	[tilespmem:$0xB490] =	vst v0  }
0x3b: {  	[tilespmem:$0xB4A0] =	vst v0  }
0x3c: {  	[tilespmem:$0xB4B0] =	vst v0  }
0x3d: {  	[tilespmem:$0xB4C0] =	vst v0  }
0x3e: {  	[tilespmem:$0xB4D0] =	vst v0  }
0x3f: {  	[tilespmem:$0xB4E0] =	vst v0  }
0x40: {  	[tilespmem:$0xB4F0] =	vst v0  }
0x41: {  	[tilespmem:$0xB500] =	vst v0  }
0x42: {  	[tilespmem:$0xB510] =	vst v0  }
0x43: {  	[tilespmem:$0xB520] =	vst v0  }
0x44: {  	[tilespmem:$0xB530] =	vst v0  }
0x45: {  	[tilespmem:$0xB540] =	vst v0  }
0x46: {  	[tilespmem:$0xB550] =	vst v0  }
0x47: {  	[tilespmem:$0xB560] =	vst v0  }
0x48: {  	[tilespmem:$0xB570] =	vst v0  }
0x49: {  	[tilespmem:$0xB580] =	vst v0  }
0x4a: {  	[tilespmem:$0xB590] =	vst v0  }
0x4b: {  	[tilespmem:$0xB5A0] =	vst v0  }
0x4c: {  	[tilespmem:$0xB5B0] =	vst v0  }
0x4d: {  	[tilespmem:$0xB5C0] =	vst v0  }
0x4e: {  	[tilespmem:$0xB5D0] =	vst v0  }
0x4f: {  	[tilespmem:$0xB5E0] =	vst v0  }
0x50: {  	[tilespmem:$0xB5F0] =	vst v0  }
0x51: {  	[tilespmem:$0xB600] =	vst v0  }
0x52: {  	[tilespmem:$0xB610] =	vst v0  }
0x53: {  	[tilespmem:$0xB620] =	vst v0  }
0x54: {  	[tilespmem:$0xB630] =	vst v0  }
0x55: {  	[tilespmem:$0xB640] =	vst v0  }
0x56: {  	[tilespmem:$0xB650] =	vst v0  }
0x57: {  	[tilespmem:$0xB660] =	vst v0  }
0x58: {  	[tilespmem:$0xB670] =	vst v0  }
0x59: {  	[tilespmem:$0xB680] =	vst v0  }
0x5a: {  	[tilespmem:$0xB690] =	vst v0  }
0x5b: {  	[tilespmem:$0xB6A0] =	vst v0  }
0x5c: {  	[tilespmem:$0xB6B0] =	vst v0  }
0x5d: {  	[tilespmem:$0xB6C0] =	vst v0  }
0x5e: {  	[tilespmem:$0xB6D0] =	vst v0  }
0x5f: {  	[tilespmem:$0xB6E0] =	vst v0  }
0x60: {  	[tilespmem:$0xB6F0] =	vst v0  }
0x61: {  	[tilespmem:$0xB700] =	vst v0  }
0x62: {  	[tilespmem:$0xB710] =	vst v0  }
0x63: {  	[tilespmem:$0xB720] =	vst v0  }
0x64: {  	[tilespmem:$0xB730] =	vst v0  }
0x65: {  	[tilespmem:$0xB740] =	vst v0  }
0x66: {  	[tilespmem:$0xB750] =	vst v0  }
0x67: {  	[tilespmem:$0xB760] =	vst v0  }
0x68: {  	[tilespmem:$0xB770] =	vst v0  }
0x69: {  	[tilespmem:$0xB780] =	vst v0  }
0x6a: {  	[tilespmem:$0xB790] =	vst v0  }
0x6b: {  	[tilespmem:$0xB7A0] =	vst v0  }
0x6c: {  	[tilespmem:$0xB7B0] =	vst v0  }
0x6d: {  	[tilespmem:$0xB7C0] =	vst v0  }
0x6e: {  	[tilespmem:$0xB7D0] =	vst v0  }
0x6f: {  	[tilespmem:$0xB7E0] =	vst v0  }
0x70: {  	[tilespmem:$0xB7F0] =	vst v0  }
0x71: {  	[tilespmem:$0xB800] =	vst v0  }
0x72: {  	[tilespmem:$0xB810] =	vst v0  }
0x73: {  	[tilespmem:$0xB820] =	vst v0  }
0x74: {  	[tilespmem:$0xB830] =	vst v0  }
0x75: {  	[tilespmem:$0xB840] =	vst v0  }
0x76: {  	[tilespmem:$0xB850] =	vst v0  }
0x77: {  	[tilespmem:$0xB860] =	vst v0  }
0x78: {  	[tilespmem:$0xB870] =	vst v0  }
0x79: {  	[tilespmem:$0xB880] =	vst v0  }
0x7a: {  	[tilespmem:$0xB890] =	vst v0  }
0x7b: {  	[tilespmem:$0xB8A0] =	vst v0  }
0x7c: {  	[tilespmem:$0xB8B0] =	vst v0  }
0x7d: {  	[tilespmem:$0xB8C0] =	vst v0  }
0x7e: {  	[tilespmem:$0xB8D0] =	vst v0  }
0x7f: {  	[tilespmem:$0xB8E0] =	vst v0  }
0x80: {  	[tilespmem:$0xB8F0] =	vst v0  }
0x81: {  	[tilespmem:$0xB900] =	vst v0  }
0x82: {  	[tilespmem:$0xB910] =	vst v0  }
0x83: {  	[tilespmem:$0xB920] =	vst v0  }
0x84: {  	[tilespmem:$0xB930] =	vst v0  }
0x85: {  	[tilespmem:$0xB940] =	vst v0  }
0x86: {  	[tilespmem:$0xB950] =	vst v0  }
0x87: {  	[tilespmem:$0xB960] =	vst v0  }
0x88: {  	[tilespmem:$0xB970] =	vst v0  }
0x89: {  	[tilespmem:$0xB980] =	vst v0  }
0x8a: {  	[tilespmem:$0xB990] =	vst v0  }
0x8b: {  	[tilespmem:$0xB9A0] =	vst v0  }
0x8c: {  	[tilespmem:$0xB9B0] =	vst v0  }
0x8d: {  	[tilespmem:$0xB9C0] =	vst v0  }
0x8e: {  	[tilespmem:$0xB9D0] =	vst v0  }
0x8f: {  	[tilespmem:$0xB9E0] =	vst v0  }
0x90: {  	[tilespmem:$0xB9F0] =	vst v0;
	s1 =	sadd.s32 $0x0, s7  }
0x91: {  	[spmem:s1] =	stream.linear.scatter [tilespmem:s12], [sflag:$0x3], $0x800, $0x38;
	[tilespmem:$0x1FA00] =	vst v63  }
0x92: {  	s1 =	simm.s32 $0x2000;
	_ =	swait.ge [sflag:s13], $0x800  }
.LBB2_2:
0x93: {  	s14 =	sshra.s32 s1, $0x2;
	[sflag:s13] =	ssyncset.done $0x0;
	p0 =	sne.s32 s1, $0x4E000  }
.Ltmp0:
0x94: {  	s14 =	sadd.s32 s14, s7;
	[sflag:s13] =	ssyncadd.s32 $0xFFFFF800;
	(pc) =	sbr.rel @p0 .LBB2_2-.Ltmp0, $3  }
0x95: {  	[spmem:s14] =	stream.linear.scatter [tilespmem:s12], [sflag:$0x3], $0x800, $0x38;
	[tilespmem:$0x1FA00] =	vst v63  }
0x96: {  	s1 =	sadd.s32 $0x2000, s1;
	_ =	sdelay $0x1  }
0x97: {  	_ =	swait.ge [sflag:s13], $0x800  }
0x98: {  	[sflag:s13] =	ssyncset.done $0x0  }
0x99: {  	s26 =	simm.s32 $0x0;
	s1 =	simm.s32 $0x1E00;
	[sflag:s13] =	ssyncadd.s32 $0xFFFFF800  }
0x9a: {  	[tilespmem:s1], [sflag:$0x3] =	stream.linear.gather [hbm4b:s8+s26], $0x1400, $0x38;
	[tilespmem:$0x1FA00] =	vst v63  }
0x9b: {  	_ =	swait.ge [sflag:s13], $0x1400  }
0x9c: {  	[sflag:s13] =	ssyncset.done $0x0  }
0x9d: {  	s28 =	simm.s32 $0x0;
	s29 =	simm.s32 $0x0;
	[sflag:s13] =	ssyncadd.s32 $0xFFFFEC00  }
.LBB2_4:
0x9e: {  	s1 =	smul.u32 $0x2800, s29;
	_ =	sdelay $0x1  }
0x9f: {  	s1 =	sadd.s32 s9, s1  }
0xa0: {  	s1 =	sshrl.u32 s1, $0x3  }
0xa1: {  	s14 =	sadd.s32 s2, s1  }
0xa2: {  	[tilespmem:s26], [sflag:$0x3] =	stream.strided.gather [hbm4b:s14+s15], $0x500, s16, s15, $0x38;
	[tilespmem:$0x1FA00] =	vst v63  }
0xa3: {  	_ =	swait.ge [sflag:s13], $0x500  }
0xa4: {  	[sflag:s13] =	ssyncset.done $0x0  }
0xa5: {  	s30 =	simm.s32 $0x500;
	s1 =	sadd.s32 s6, s1;
	[sflag:s13] =	ssyncadd.s32 $0xFFFFFB00  }
0xa6: {  	[tilespmem:s30], [sflag:$0x3] =	stream.strided.gather [hbm4b:s1+s15], $0x500, s16, s15, $0x38;
	[tilespmem:$0x1FA00] =	vst v63  }
0xa7: {  	_ =	swait.ge [sflag:s13], $0x500  }
0xa8: {  	[sflag:s13] =	ssyncset.done $0x0  }
0xa9: {  	[sflag:s13] =	ssyncadd.s32 $0xFFFFFB00  }
0xaa: {  	s31 =	simm.s32 $0x0;
	s14 =	simm.s32 $0x0;
	s1 =	simm.s32 $0x10;
	v1 =	vld [tilespmem:s26+$0x0]  }
.LBB2_5:
0xab: {  	p0 =	sne.s32 s1, $0x4F0;
	v2 =	vld [tilespmem:s30+$0x0];
	_ =	sdelay $0x2  }
.Ltmp1:
0xac: {  	s17 =	sadd.s32 s31, s28;
	(pc) =	sbr.rel @p0 .LBB2_5-.Ltmp1, $4  }
0xad: {  	s23 =	sand.u32 $0x70, s31;
	s31 =	smov.u32 s1;
	s17 =	sand.u32 $0x1F80, s17;
	v1 =	vshll.u32 v1, $0x4  }
0xae: {  	s17 =	sor.u32 s23, s17;
	v1 =	vadd.s32 v2, v1  }
0xaf: {  	s14 =	sadd.s32 $0x10, s14;
	[tilespmem:s17+$0xA00] =	vst v1  }
0xb0: {  	s1 =	sadd.s32 $0x10, s1;
	s30 =	sadd.s32 $0x10, s30;
	v1 =	vld [tilespmem:s14+$0x0]  }
0xb1: {  	v2 =	vld [tilespmem:s30+$0x0];
	s29 =	sadd.s32 $0x1, s29  }
0xb2: {  	p0 =	sne.s32 s29, $0x4  }
.Ltmp2:
0xb3: {  	_ = 	snop;
	(pc) =	sbr.rel @p0 .LBB2_4-.Ltmp2, $4  }
0xb4: {  	s1 =	sadd.s32 s31, s28  }
0xb5: {  	s14 =	sand.u32 $0x70, s31;
	s1 =	sand.u32 $0x1F80, s1;
	v1 =	vshll.u32 v1, $0x4  }
0xb6: {  	s1 =	sor.u32 s14, s1;
	v1 =	vadd.s32 v2, v1  }
0xb7: {  	s28 =	sadd.s32 $0x500, s28;
	[tilespmem:s1+$0xA00] =	vst v1  }
0xb8: {  	[bflag:$0x0] =	sbarrier.arrive $0xFFFF;
	s1 =	simm.s32 $0xA00  }
0xb9: {  	[tilespmem:s18], [sflag:$0x1] =	stream.indirect.gather [hbm4b:s5+s15], $0x80, s1, s15, $0xb8;
	[tilespmem:$0x1FA00] =	vst v63  }
0xba: {  	s28 =	simm.s32 $0xA80  }
0xbb: {  	[tilespmem:s19], [sflag:$0x2] =	stream.indirect.gather [hbm4b:s5+s15], $0x80, s28, s15, $0xb8;
	[tilespmem:$0x1FA00] =	vst v63  }
0xbc: {  	_ =	swait.ge [sflag:s20], $0x4000  }
0xbd: {  	[sflag:s20] =	ssyncset.done $0x0  }
0xbe: {  	s29 =	simm.s32 $0x1E00;
	[sflag:s20] =	ssyncadd.s32 $0xFFFFC000  }
0xbf: {  	[spmem:s3] =	stream.indirect.scatter.add.f32 [tilespmem:s18], [sflag:$0x4], $0x80, s29, s15, $0xb8;
	[tilespmem:$0x1FA00] =	vst v63  }
0xc0: {  	_ =	swait.ge [sflag:s21], $0x4000  }
0xc1: {  	[sflag:s21] =	ssyncset.done $0x0  }
0xc2: {  	s30 =	simm.s32 $0xB00;
	[sflag:s21] =	ssyncadd.s32 $0xFFFFC000  }
0xc3: {  	[tilespmem:s18], [sflag:$0x1] =	stream.indirect.gather [hbm4b:s5+s15], $0x80, s30, s15, $0xb8;
	[tilespmem:$0x1FA00] =	vst v63  }
0xc4: {  	_ =	swait.ge [sflag:s22], $0x4000  }
0xc5: {  	[sflag:s22] =	ssyncset.done $0x0  }
0xc6: {  	s31 =	simm.s32 $0x1E80;
	[sflag:s22] =	ssyncadd.s32 $0xFFFFC000  }
0xc7: {  	[spmem:s3] =	stream.indirect.scatter.add.f32 [tilespmem:s19], [sflag:$0x3], $0x80, s31, s15, $0xb8;
	[tilespmem:$0x1FA00] =	vst v63  }
0xc8: {  	_ =	swait.ge [sflag:s13], $0x4000  }
0xc9: {  	s26 =	simm.s32 $0x100;
	s1 =	simm.s32 $0x800;
	[sflag:s13] =	ssyncset.done $0x0  }
.LBB2_8:
0xca: {  	s14 =	sadd.s32 $0xA80, s26  }
0xcb: {  	[sflag:s13] =	ssyncadd.s32 $0xFFFFC000;
	s17 =	smov.u32 s1;
	s23 =	sadd.s32 $0x400, s1  }
0xcc: {  	[tilespmem:s19], [sflag:$0x2] =	stream.indirect.gather [hbm4b:s5+s15], $0x80, s14, s15, $0xb8;
	[tilespmem:$0x1FA00] =	vst v63  }
0xcd: {  	p0 =	sne.s32 s1, $0x4800;
	_ =	swait.ge [sflag:s20], $0x4000  }
0xce: {  	[sflag:s20] =	ssyncset.done $0x0  }
0xcf: {  	s1 =	sadd.s32 $0x1E00, s26;
	[sflag:s20] =	ssyncadd.s32 $0xFFFFC000  }
0xd0: {  	[spmem:s3] =	stream.indirect.scatter.add.f32 [tilespmem:s18], [sflag:$0x4], $0x80, s1, s15, $0xb8;
	[tilespmem:$0x1FA00] =	vst v63  }
0xd1: {  	_ =	swait.ge [sflag:s21], $0x4000  }
0xd2: {  	[sflag:s21] =	ssyncset.done $0x0  }
0xd3: {  	s1 =	sadd.s32 $0xB00, s26;
	[sflag:s21] =	ssyncadd.s32 $0xFFFFC000  }
0xd4: {  	[tilespmem:s18], [sflag:$0x1] =	stream.indirect.gather [hbm4b:s5+s15], $0x80, s1, s15, $0xb8;
	[tilespmem:$0x1FA00] =	vst v63  }
0xd5: {  	_ =	swait.ge [sflag:s22], $0x4000  }
.Ltmp3:
0xd6: {  	[sflag:s22] =	ssyncset.done $0x0;
	(pc) =	sbr.rel @p0 .LBB2_8-.Ltmp3, $4  }
0xd7: {  	s1 =	sadd.s32 $0x1E80, s26;
	[sflag:s22] =	ssyncadd.s32 $0xFFFFC000  }
0xd8: {  	[spmem:s3] =	stream.indirect.scatter.add.f32 [tilespmem:s19], [sflag:$0x3], $0x80, s1, s15, $0xb8;
	[tilespmem:$0x1FA00] =	vst v63  }
0xd9: {  	_ =	swait.ge [sflag:s13], $0x4000  }
0xda: {  	s26 =	sshra.s32 s17, $0x2;
	s1 =	smov.u32 s23;
	[sflag:s13] =	ssyncset.done $0x0  }
0xdb: {  	s1 =	sadd.s32 $0xA80, s26;
	[sflag:s13] =	ssyncadd.s32 $0xFFFFC000  }
0xdc: {  	[tilespmem:s19], [sflag:$0x2] =	stream.indirect.gather [hbm4b:s5+s15], $0x80, s1, s15, $0xb8;
	[tilespmem:$0x1FA00] =	vst v63  }
0xdd: {  	_ =	swait.ge [sflag:s20], $0x4000  }
0xde: {  	[sflag:s20] =	ssyncset.done $0x0  }
0xdf: {  	s23 =	sadd.s32 $0x1E00, s26;
	[sflag:s20] =	ssyncadd.s32 $0xFFFFC000  }
0xe0: {  	[spmem:s3] =	stream.indirect.scatter.add.f32 [tilespmem:s18], [sflag:$0x4], $0x80, s23, s15, $0xb8;
	[tilespmem:$0x1FA00] =	vst v63  }
0xe1: {  	_ =	swait.ge [sflag:s21], $0x4000  }
0xe2: {  	[sflag:s21] =	ssyncset.done $0x0  }
0xe3: {  	s28 =	sadd.s32 $0xB00, s26;
	[sflag:s21] =	ssyncadd.s32 $0xFFFFC000  }
0xe4: {  	[tilespmem:s18], [sflag:$0x1] =	stream.indirect.gather [hbm4b:s5+s15], $0x80, s28, s15, $0xb8;
	[tilespmem:$0x1FA00] =	vst v63  }
0xe5: {  	_ =	swait.ge [sflag:s22], $0x4000  }
0xe6: {  	[sflag:s22] =	ssyncset.done $0x0  }
0xe7: {  	s29 =	sadd.s32 $0x1E80, s26;
	[sflag:s22] =	ssyncadd.s32 $0xFFFFC000  }
0xe8: {  	[spmem:s3] =	stream.indirect.scatter.add.f32 [tilespmem:s19], [sflag:$0x3], $0x80, s29, s15, $0xb8;
	[tilespmem:$0x1FA00] =	vst v63  }
0xe9: {  	_ =	swait.ge [sflag:s13], $0x4000  }
0xea: {  	[sflag:s13] =	ssyncset.done $0x0  }
0xeb: {  	s30 =	simm.s32 $0x1D80;
	[sflag:s13] =	ssyncadd.s32 $0xFFFFC000  }
0xec: {  	[tilespmem:s19], [sflag:$0x2] =	stream.indirect.gather [hbm4b:s5+s15], $0x80, s30, s15, $0xb8;
	[tilespmem:$0x1FA00] =	vst v63  }
0xed: {  	_ =	swait.ge [sflag:s20], $0x4000  }
0xee: {  	[sflag:s20] =	ssyncset.done $0x0  }
0xef: {  	[sflag:s20] =	ssyncadd.s32 $0xFFFFC000  }
0xf0: {  	[spmem:s3] =	stream.indirect.scatter.add.f32 [tilespmem:s18], [sflag:$0x4], $0x80, s24, s15, $0xb8;
	[tilespmem:$0x1FA00] =	vst v63  }
0xf1: {  	_ =	swait.ge [sflag:s21], $0x4000  }
0xf2: {  	[sflag:s21] =	ssyncset.done $0x0  }
0xf3: {  	[sflag:s21] =	ssyncadd.s32 $0xFFFFC000  }
0xf4: {  	_ =	swait.ge [sflag:s22], $0x4000  }
0xf5: {  	[sflag:s22] =	ssyncset.done $0x0  }
0xf6: {  	[sflag:s22] =	ssyncadd.s32 $0xFFFFC000  }
0xf7: {  	[spmem:s3] =	stream.indirect.scatter.add.f32 [tilespmem:s19], [sflag:$0x3], $0x80, s25, s15, $0xb8;
	[tilespmem:$0x1FA00] =	vst v63  }
0xf8: {  	_ =	swait.ge [sflag:s13], $0x4000  }
0xf9: {  	s31 =	sshll.u32 s0, $0x6;
	s4 =	sadd.s32 $0x1, s4;
	[sflag:s13] =	ssyncset.done $0x0  }
0xfa: {  	s14 =	sshrl.u32 s7, $0x3;
	p0 =	sne.s32 s4, s11;
	[sflag:s13] =	ssyncadd.s32 $0xFFFFC000  }
.Ltmp4:
0xfb: {  	s1 =	sor.u32 $0x1C03, s31;
	[bflag:$0x0] =	sbarrier.arrive $0xFFFF;
	(pc) =	sbr.rel @p0 .LBB2_1-.Ltmp4, $4  }
0xfc: {  	[hbm:s10], [sflag:s1] =	dma.local [spmem:s14], $0x2800  }
0xfd: {  	_ =	swait.ge [sflag:s13], $0x2800  }
0xfe: {  	[sflag:s13] =	ssyncset.done $0x0  }
0xff: {  	[sflag:s13] =	ssyncadd.s32 $0xFFFFD800  }
0x100: {  	_ =	sfence.sel $0x180000  }
0x101: {  	[bflag:$0x0] =	sbarrier.arrive $0xFFFF  }
0x102: {  	_ =	strace $0x90000047  }
0x103: {  	[bflag:$0x2] =	sbarrier.arrive $0xFFFF  }
0x104: {  	p0 =	sne.s32 s0, $0x0;
	s0 =	rddreg [dreg:$0x3]  }
0x105: {  	s0 =	sadd.s32 @!p0 $0x100000, s0  }
0x106: {  	[sflag:s0] =	ssyncadd.tile.s32 @!p0 $0x1;
	_ =	shalt  }
.Lfunc_end2:
_tile_overlayer_lowered:
.L_overlay_start_2:
0x107: {  	(tag) =	ssettag $0x2  }
0x108: {  	s0 =	rddreg [dreg:$0x0];
	s2 =	stileid.u32  }
0x109: {  	s1 =	rddreg [dreg:$0x1];
	p0 =	sne.s32 s2, $0x0  }
0x10a: {  	s3 =	rddreg [dreg:$0x2];
	[bflag:$0x3] =	sbarrier.arrive $0xFFFF;
	s2 =	simm.s32 @!p0 $0x1C03  }
0x10b: {  	[timem:s3], [sflag:s2] =	dma.local @!p0 [hbm:s0], s1  }
0x10c: {  	s0 =	simm.s32 @!p0 $0x3  }
0x10d: {  	_ =	swait.ge @!p0 [sflag:s0], s1  }
0x10e: {  	s1 =	ssub.s32 @!p0 $0x0, s1;
	[sflag:s0] =	ssyncset.done @!p0 $0x0  }
0x10f: {  	[sflag:s0] =	ssyncadd.s32 @!p0 s1  }
0x110: {  	[bflag:$0x3] =	sbarrier.arrive $0xFFFF  }
0x111: {  	_ =	shalt  }

</sc_bundles>
